<compile_context>
chip_gen: v7x
topology: tpu7x:2x2x1
jax: 0.10.2.dev20260603
libtpu: 0.0.44.dev20260713+nightly
codegen_flags: <defaults>
</compile_context>

<pallas_src>
import functools

import jax
import jax.numpy as jnp
from jax import lax
from jax.experimental import pallas as pl
from jax.experimental.pallas import tpu as pltpu
from jax.experimental.pallas import tpu_sc as plsc

EMB = 32
R_MASK = 65535
NQ = 15625
NR = 65536
VOCAB = 1000000

QBLK = 8192
QSEL = QBLK // 64
NQBLK = -(-VOCAB // QBLK)
NQ_PAD = NQBLK * QSEL

_info = plsc.get_sparse_core_info()
_NC, _NS, _L = _info.num_cores, _info.num_subcores, _info.num_lanes
_NW = _NC * _NS

CHUNK = 512
SUB = 128
NSUB = CHUNK // SUB


def _eye(n):
    r = lax.broadcasted_iota(jnp.int32, (n, n), 0)
    c = lax.broadcasted_iota(jnp.int32, (n, n), 1)
    return jnp.where(r == c, 1.0, 0.0).astype(jnp.float32)


def _qt_body(t_ref, o_ref):
    x = t_ref[...]
    r = lax.broadcasted_iota(jnp.int32, (QBLK, QSEL), 0)
    c = lax.broadcasted_iota(jnp.int32, (QBLK, QSEL), 1)
    sel = jnp.where(r == c * 64, 1.0, 0.0).astype(jnp.float32)
    y = lax.dot_general(x, sel, (((1,), (0,)), ((), ())),
                        preferred_element_type=jnp.float32)
    o_ref[...] = lax.dot_general(y, _eye(EMB), (((0,), (0,)), ((), ())),
                                 preferred_element_type=jnp.float32)


def _rt_body(t_ref, o_ref):
    x = t_ref[...]
    o_ref[...] = lax.dot_general(x, _eye(EMB), (((0,), (0,)), ((), ())),
                                 preferred_element_type=jnp.float32)


@functools.cache
def _make_distill():
    qt = pl.pallas_call(
        _qt_body,
        grid=(NQBLK,),
        in_specs=[pl.BlockSpec((EMB, QBLK), lambda g: (0, g))],
        out_specs=pl.BlockSpec((QSEL, EMB), lambda g: (g, 0)),
        out_shape=jax.ShapeDtypeStruct((NQ_PAD, EMB), jnp.float32),
    )
    rt = pl.pallas_call(
        _rt_body,
        grid=(NR // QBLK,),
        in_specs=[pl.BlockSpec((EMB, QBLK), lambda g: (0, g))],
        out_specs=pl.BlockSpec((QBLK, EMB), lambda g: (g, 0)),
        out_shape=jax.ShapeDtypeStruct((NR, EMB), jnp.float32),
    )
    return qt, rt


@functools.cache
def _make_lookup(B):
    b_per_w = B // _NW
    n_chunks = b_per_w // CHUNK
    n_pairs = n_chunks // 2
    mesh = plsc.VectorSubcoreMesh(core_axis_name="c", subcore_axis_name="s")

    @functools.partial(
        pl.kernel,
        mesh=mesh,
        out_type=jax.ShapeDtypeStruct((B, EMB), jnp.float32),
        compiler_params=pltpu.CompilerParams(use_tc_tiling_on_sc=False),
        scratch_types=[
            pltpu.VMEM((CHUNK,), jnp.int32),
            pltpu.VMEM((CHUNK,), jnp.int32),
            pltpu.VMEM((CHUNK,), jnp.int32),
            pltpu.VMEM((CHUNK, EMB), jnp.float32),
            pltpu.VMEM((CHUNK,), jnp.int32),
            pltpu.VMEM((CHUNK,), jnp.int32),
            pltpu.VMEM((CHUNK,), jnp.int32),
            pltpu.VMEM((CHUNK, EMB), jnp.float32),
            pltpu.SemaphoreType.DMA,
            pltpu.SemaphoreType.DMA,
            pltpu.SemaphoreType.DMA,
            pltpu.SemaphoreType.DMA,
        ],
    )
    def k(ids_hbm, qt_hbm, rt_hbm, out_hbm,
          ids0, idxq0, idxr0, rq0,
          ids1, idxq1, idxr1, rq1,
          semg0, semg1, semw0, semw1):
        wid = lax.axis_index("s") * _NC + lax.axis_index("c")
        base_w = wid * b_per_w
        slots = ((ids0, idxq0, idxr0, rq0, semg0, semw0),
                 (ids1, idxq1, idxr1, rq1, semg1, semw1))

        def fire_q(s, c, first):
            ids_v, idxq, idxr, rq, semg, semw = slots[s]
            base = base_w + c * CHUNK

            def drain_write():
                pltpu.make_async_copy(
                    rq, out_hbm.at[pl.ds(base, CHUNK)], semw).wait()

            if not first:
                pl.when(c >= 2)(drain_write)

            pltpu.sync_copy(ids_hbm.at[pl.ds(base, CHUNK)], ids_v)

            def idx_body(i, carry):
                v = ids_v[pl.ds(i * _L, _L)]
                hi = lax.shift_right_arithmetic(v, 16)
                j = lax.rem(hi * 1024, jnp.int32(NQ))
                j = jnp.where(j < 0, j + jnp.int32(NQ), j)
                idxq[pl.ds(i * _L, _L)] = j
                idxr[pl.ds(i * _L, _L)] = v & jnp.int32(R_MASK)
                return carry

            lax.fori_loop(0, CHUNK // _L, idx_body, 0)
            for j in range(NSUB):
                pltpu.async_copy(
                    qt_hbm.at[idxq.at[pl.ds(j * SUB, SUB)]],
                    rq.at[pl.ds(j * SUB, SUB)], semg)

        def fire_r(s):
            ids_v, idxq, idxr, rq, semg, semw = slots[s]
            for j in range(NSUB):
                pltpu.make_async_copy(
                    qt_hbm.at[idxq.at[pl.ds(j * SUB, SUB)]],
                    rq.at[pl.ds(j * SUB, SUB)], semg).wait()
            for j in range(NSUB):
                pltpu.async_copy(
                    rt_hbm.at[idxr.at[pl.ds(j * SUB, SUB)]],
                    rq.at[pl.ds(j * SUB, SUB)], semg, add=True)

        def write_out(s, c):
            ids_v, idxq, idxr, rq, semg, semw = slots[s]
            base = base_w + c * CHUNK
            for j in range(NSUB):
                pltpu.make_async_copy(
                    rt_hbm.at[idxr.at[pl.ds(j * SUB, SUB)]],
                    rq.at[pl.ds(j * SUB, SUB)], semg).wait()
            pltpu.async_copy(rq, out_hbm.at[pl.ds(base, CHUNK)], semw)

        fire_q(0, 0, first=True)

        def body(c2, carry):
            c0 = c2 * 2
            c1 = c0 + 1
            fire_q(1, c1, first=False)
            fire_r(0)
            write_out(0, c0)

            def refill():
                fire_q(0, c0 + 2, first=False)

            pl.when(c2 < n_pairs - 1)(refill)
            fire_r(1)
            write_out(1, c1)
            return carry

        lax.fori_loop(0, n_pairs, body, 0)

        last0 = base_w + (n_chunks - 2) * CHUNK
        last1 = base_w + (n_chunks - 1) * CHUNK
        pltpu.make_async_copy(
            rq0, out_hbm.at[pl.ds(last0, CHUNK)], semw0).wait()
        pltpu.make_async_copy(
            rq1, out_hbm.at[pl.ds(last1, CHUNK)], semw1).wait()

    return k


def kernel(ids, table):
    B = ids.shape[0] * ids.shape[1]
    qt_call, rt_call = _make_distill()
    tT = table.T
    qt = qt_call(tT)
    rt = rt_call(tT)
    out = _make_lookup(B)(ids.reshape(-1), qt, rt)
    return out.reshape(ids.shape + (EMB,))

# --- scband reference (transcript-rebuilt; emitter-appended) ---
"""Pipeline reference for scband-diamond-embedding-14482629722256 (READ-ONLY COPY).

The authoritative reference and input builder live on the scoring server;
editing this copy changes nothing except your own understanding.
"""

import jax, jax.numpy as jnp
import numpy as np

VOCAB = 1000000  # init_capacity surrogate for the dynamic hash table
EMB_DIM = 32
# composition_factor '16,16' for int32 keys: Q = 0xFFFF0000 (== -65536 as int32), R = 0x0000FFFF
Q_MASK = np.int32(-65536)
R_MASK = np.int32(65535)


def setup_inputs(seed: int = 0) -> dict:
    key = jax.random.key(seed)
    k1, k2 = jax.random.split(key)
    ids = jax.random.randint(k1, (16384, 26), 0, 2147483647, dtype=jnp.int32)
    # dynamic-embedding table surrogate: fixed-capacity table, keys hashed via modulo
    table = jax.random.normal(k2, (VOCAB, EMB_DIM), dtype=jnp.float32) * 0.01
    return {"ids": ids, "table": table}


def _lookup(table, ids):
    # EmbeddingLayerGPU.call: flatten -> unique -> lookup -> gather back.
    # unique+gather is mathematically identical to a direct gather, so we gather directly.
    ids_flat = jnp.reshape(ids, (-1,))
    idx = jnp.mod(ids_flat, table.shape[0])  # hash arbitrary int keys into table rows
    emb_flat = jnp.take(table, idx, axis=0)
    return jnp.reshape(emb_flat, ids.shape + (table.shape[1],))


def reference(ids, table):
    # CompositionalEmbedding.call (int32 key path, Q-R strategy, operation='add')
    ids_q = jnp.bitwise_and(ids, Q_MASK)
    ids_r = jnp.bitwise_and(ids, R_MASK)
    emb_q = _lookup(table, ids_q)
    emb_r = _lookup(table, ids_r)
    return emb_q + emb_r

if __name__ == "__main__":
    import jax
    _d = setup_inputs()
    print(jax.jit(kernel)(*tuple(_d.values())))

</pallas_src>

<mosaic_0001>
#map = affine_map<(d0, d1) -> (0)>
#map1 = affine_map<(d0, d1) -> (0, 0)>
module attributes {stable_mosaic.version = 14 : i64} {
  func.func @k(%arg0: i32, %arg1: i32, %arg2: memref<425984xi32, #tpu.memory_space<hbm>>, %arg3: memref<15744x32xf32, #tpu.memory_space<hbm>>, %arg4: memref<65536x32xf32, #tpu.memory_space<hbm>>, %arg5: memref<425984x32xf32, #tpu.memory_space<hbm>>, %arg6: memref<512xi32, #tpu.memory_space<vmem>>, %arg7: memref<512xi32, #tpu.memory_space<vmem>>, %arg8: memref<512xi32, #tpu.memory_space<vmem>>, %arg9: memref<512x32xf32, #tpu.memory_space<vmem>>, %arg10: memref<512xi32, #tpu.memory_space<vmem>>, %arg11: memref<512xi32, #tpu.memory_space<vmem>>, %arg12: memref<512xi32, #tpu.memory_space<vmem>>, %arg13: memref<512x32xf32, #tpu.memory_space<vmem>>, %arg14: memref<!tpu.dma_semaphore, #tpu.memory_space<semaphore_mem>>, %arg15: memref<!tpu.dma_semaphore, #tpu.memory_space<semaphore_mem>>, %arg16: memref<!tpu.dma_semaphore, #tpu.memory_space<semaphore_mem>>, %arg17: memref<!tpu.dma_semaphore, #tpu.memory_space<semaphore_mem>>) attributes {dimension_semantics = [#tpu.dimension_semantics<core_parallel>, #tpu.dimension_semantics<subcore_parallel>], iteration_bounds = array<i64: 2, 16>, scalar_prefetch = 0 : i64, scratch_operands = 12 : i64, tpu.core_type = #tpu.core_type<sc_vector_subcore>, window_params = [{transform_indices = #map}, {transform_indices = #map1}, {transform_indices = #map1}, {transform_indices = #map1}]} {
    %mul3A = arith.constant 2 : i32
    %mul3A_0 = arith.muli %arg1, %mul3A : i32
    %add3A = arith.addi %mul3A_0, %arg0 : i32
    %mul3A_1 = arith.constant 13312 : i32
    %mul3A_2 = arith.muli %add3A, %mul3A_1 : i32
    %add3A_3 = arith.constant 0 : i32
    %add3A_4 = arith.addi %mul3A_2, %add3A_3 : i32
    "tpu.region"() ({
      %run_scoped3A = tpu.sem_alloc : memref<!tpu.dma_semaphore, #tpu.memory_space<semaphore_mem>>
      %dma_start3A_58 = tpu.memref_slice %arg2[%add3A_4] : memref<425984xi32, #tpu.memory_space<hbm>> -> memref<512xi32, #tpu.memory_space<hbm>>
      %dma_start3A_59 = tpu.memref_slice %arg2[%add3A_4] : memref<425984xi32, #tpu.memory_space<hbm>> -> memref<512xi32, #tpu.memory_space<hbm>>
      tpu.enqueue_dma source(%dma_start3A_59 : memref<512xi32, #tpu.memory_space<hbm>>) target(%arg6 : memref<512xi32, #tpu.memory_space<vmem>>) target_semaphore(%run_scoped3A : memref<!tpu.dma_semaphore, #tpu.memory_space<semaphore_mem>>)
      %dma_wait3A_60 = tpu.memref_slice %arg2[%add3A_4] : memref<425984xi32, #tpu.memory_space<hbm>> -> memref<512xi32, #tpu.memory_space<hbm>>
      %dma_wait3A_61 = tpu.memref_slice %arg2[%add3A_4] : memref<425984xi32, #tpu.memory_space<hbm>> -> memref<512xi32, #tpu.memory_space<hbm>>
      tpu.wait_dma2 semaphore(%run_scoped3A : memref<!tpu.dma_semaphore, #tpu.memory_space<semaphore_mem>>) src(%dma_wait3A_61 : memref<512xi32, #tpu.memory_space<hbm>>) dst(%arg6 : memref<512xi32, #tpu.memory_space<vmem>>)
      tpu.yield
    }) : () -> ()
    %scan3A = arith.constant 0 : i32
    %scan3A_5 = arith.constant 0 : i32
    %scan3A_6 = arith.constant 32 : i32
    %scan3A_7 = arith.addi %scan3A_5, %scan3A_6 : i32
    %scan3A_8 = arith.constant 1 : i32
    scf.for %scan3A_58 = %scan3A_5 to %scan3A_7 step %scan3A_8  : i32 {
      %mul3A_59 = arith.constant 16 : i32
      %mul3A_60 = arith.muli %scan3A_58, %mul3A_59 : i32
      %get3A = arith.index_cast %mul3A_60 : i32 to index
      %get3A_61 = tpu.vector_load %arg6[%get3A] {strides = array<i32>} : memref<512xi32, #tpu.memory_space<vmem>>, vector<16xi32>,
      %get3A_62 = vector.shape_cast %get3A_61 : vector<16xi32> to vector<16xi32>
      %shift_right_arithmetic3A = arith.constant 16 : i32
      %shift_right_arithmetic3A_63 = vector.broadcast %shift_right_arithmetic3A : i32 to vector<16xi32>
      %shift_right_arithmetic3A_64 = arith.shrsi %get3A_62, %shift_right_arithmetic3A_63 : vector<16xi32>
      %mul3A_65 = arith.constant 1024 : i32
      %mul3A_66 = vector.broadcast %mul3A_65 : i32 to vector<16xi32>
      %mul3A_67 = arith.muli %shift_right_arithmetic3A_64, %mul3A_66 : vector<16xi32>
      %rem3A = arith.constant 15625 : i32
      %rem3A_68 = vector.broadcast %rem3A : i32 to vector<16xi32>
      %rem3A_69 = arith.remsi %mul3A_67, %rem3A_68 : vector<16xi32>
      %lt3A = arith.constant 0 : i32
      %lt3A_70 = vector.broadcast %lt3A : i32 to vector<16xi32>
      %lt3A_71 = arith.cmpi slt, %rem3A_69, %lt3A_70 : vector<16xi32>
      %add3A_72 = arith.constant 15625 : i32
      %add3A_73 = vector.broadcast %add3A_72 : i32 to vector<16xi32>
      %add3A_74 = arith.addi %rem3A_69, %add3A_73 : vector<16xi32>
      %select_n3A = arith.select %lt3A_71, %add3A_74, %rem3A_69 : vector<16xi1>, vector<16xi32>
      %mul3A_75 = arith.constant 16 : i32
      %mul3A_76 = arith.muli %scan3A_58, %mul3A_75 : i32
      %swap3A = arith.index_cast %mul3A_76 : i32 to index
      %swap3A_77 = tpu.vector_load %arg7[%swap3A] {strides = array<i32>} : memref<512xi32, #tpu.memory_space<vmem>>, vector<16xi32>,
      %swap3A_78 = vector.shape_cast %swap3A_77 : vector<16xi32> to vector<16xi32>
      %swap3A_79 = vector.shape_cast %select_n3A : vector<16xi32> to vector<16xi32>
      tpu.vector_store %arg7[%swap3A], %swap3A_79 {strides = array<i32>} : memref<512xi32, #tpu.memory_space<vmem>>, vector<16xi32>,
      %and3A = arith.constant 65535 : i32
      %and3A_80 = vector.broadcast %and3A : i32 to vector<16xi32>
      %and3A_81 = arith.andi %get3A_62, %and3A_80 : vector<16xi32>
      %mul3A_82 = arith.constant 16 : i32
      %mul3A_83 = arith.muli %scan3A_58, %mul3A_82 : i32
      %swap3A_84 = arith.index_cast %mul3A_83 : i32 to index
      %swap3A_85 = tpu.vector_load %arg8[%swap3A_84] {strides = array<i32>} : memref<512xi32, #tpu.memory_space<vmem>>, vector<16xi32>,
      %swap3A_86 = vector.shape_cast %swap3A_85 : vector<16xi32> to vector<16xi32>
      %swap3A_87 = vector.shape_cast %and3A_81 : vector<16xi32> to vector<16xi32>
      tpu.vector_store %arg8[%swap3A_84], %swap3A_87 {strides = array<i32>} : memref<512xi32, #tpu.memory_space<vmem>>, vector<16xi32>,
    }
    %scan3A_9 = arith.constant 32 : i32
    %dma_start3A = arith.constant 0 : i32
    %dma_start3A_10 = arith.constant 0 : i32
    %dma_start3A_11 = tpu.memref_slice %arg9[%dma_start3A, %dma_start3A_10] : memref<512x32xf32, #tpu.memory_space<vmem>> -> memref<128x32xf32, #tpu.memory_space<vmem>>
    %dma_start3A_12 = arith.constant 0 : i32
    %dma_start3A_13 = tpu.memref_slice %arg7[%dma_start3A_12] : memref<512xi32, #tpu.memory_space<vmem>> -> memref<128xi32, #tpu.memory_space<vmem>>
    %dma_start3A_14 = arith.constant 0 : i32
    %dma_start3A_15 = arith.constant 0 : i32
    %dma_start3A_16 = tpu.memref_slice %arg3[%dma_start3A_14, %dma_start3A_15] : memref<15744x32xf32, #tpu.memory_space<hbm>> -> memref<15744x32xf32, #tpu.memory_space<hbm>>
    tpu.enqueue_indirect_dma source(%dma_start3A_16 : memref<15744x32xf32, #tpu.memory_space<hbm>>) target(%dma_start3A_11 : memref<128x32xf32, #tpu.memory_space<vmem>>) offsets(%dma_start3A_13 : memref<128xi32, #tpu.memory_space<vmem>>) semaphore(%arg14 : memref<!tpu.dma_semaphore, #tpu.memory_space<semaphore_mem>>)
    %dma_start3A_17 = arith.constant 128 : i32
    %dma_start3A_18 = arith.constant 0 : i32
    %dma_start3A_19 = tpu.memref_slice %arg9[%dma_start3A_17, %dma_start3A_18] : memref<512x32xf32, #tpu.memory_space<vmem>> -> memref<128x32xf32, #tpu.memory_space<vmem>>
    %dma_start3A_20 = arith.constant 128 : i32
    %dma_start3A_21 = tpu.memref_slice %arg7[%dma_start3A_20] : memref<512xi32, #tpu.memory_space<vmem>> -> memref<128xi32, #tpu.memory_space<vmem>>
    %dma_start3A_22 = arith.constant 0 : i32
    %dma_start3A_23 = arith.constant 0 : i32
    %dma_start3A_24 = tpu.memref_slice %arg3[%dma_start3A_22, %dma_start3A_23] : memref<15744x32xf32, #tpu.memory_space<hbm>> -> memref<15744x32xf32, #tpu.memory_space<hbm>>
    tpu.enqueue_indirect_dma source(%dma_start3A_24 : memref<15744x32xf32, #tpu.memory_space<hbm>>) target(%dma_start3A_19 : memref<128x32xf32, #tpu.memory_space<vmem>>) offsets(%dma_start3A_21 : memref<128xi32, #tpu.memory_space<vmem>>) semaphore(%arg14 : memref<!tpu.dma_semaphore, #tpu.memory_space<semaphore_mem>>)
    %dma_start3A_25 = arith.constant 256 : i32
    %dma_start3A_26 = arith.constant 0 : i32
    %dma_start3A_27 = tpu.memref_slice %arg9[%dma_start3A_25, %dma_start3A_26] : memref<512x32xf32, #tpu.memory_space<vmem>> -> memref<128x32xf32, #tpu.memory_space<vmem>>
    %dma_start3A_28 = arith.constant 256 : i32
    %dma_start3A_29 = tpu.memref_slice %arg7[%dma_start3A_28] : memref<512xi32, #tpu.memory_space<vmem>> -> memref<128xi32, #tpu.memory_space<vmem>>
    %dma_start3A_30 = arith.constant 0 : i32
    %dma_start3A_31 = arith.constant 0 : i32
    %dma_start3A_32 = tpu.memref_slice %arg3[%dma_start3A_30, %dma_start3A_31] : memref<15744x32xf32, #tpu.memory_space<hbm>> -> memref<15744x32xf32, #tpu.memory_space<hbm>>
    tpu.enqueue_indirect_dma source(%dma_start3A_32 : memref<15744x32xf32, #tpu.memory_space<hbm>>) target(%dma_start3A_27 : memref<128x32xf32, #tpu.memory_space<vmem>>) offsets(%dma_start3A_29 : memref<128xi32, #tpu.memory_space<vmem>>) semaphore(%arg14 : memref<!tpu.dma_semaphore, #tpu.memory_space<semaphore_mem>>)
    %dma_start3A_33 = arith.constant 384 : i32
    %dma_start3A_34 = arith.constant 0 : i32
    %dma_start3A_35 = tpu.memref_slice %arg9[%dma_start3A_33, %dma_start3A_34] : memref<512x32xf32, #tpu.memory_space<vmem>> -> memref<128x32xf32, #tpu.memory_space<vmem>>
    %dma_start3A_36 = arith.constant 384 : i32
    %dma_start3A_37 = tpu.memref_slice %arg7[%dma_start3A_36] : memref<512xi32, #tpu.memory_space<vmem>> -> memref<128xi32, #tpu.memory_space<vmem>>
    %dma_start3A_38 = arith.constant 0 : i32
    %dma_start3A_39 = arith.constant 0 : i32
    %dma_start3A_40 = tpu.memref_slice %arg3[%dma_start3A_38, %dma_start3A_39] : memref<15744x32xf32, #tpu.memory_space<hbm>> -> memref<15744x32xf32, #tpu.memory_space<hbm>>
    tpu.enqueue_indirect_dma source(%dma_start3A_40 : memref<15744x32xf32, #tpu.memory_space<hbm>>) target(%dma_start3A_35 : memref<128x32xf32, #tpu.memory_space<vmem>>) offsets(%dma_start3A_37 : memref<128xi32, #tpu.memory_space<vmem>>) semaphore(%arg14 : memref<!tpu.dma_semaphore, #tpu.memory_space<semaphore_mem>>)
    %scan3A_41 = arith.constant 0 : i32
    %scan3A_42 = arith.constant 0 : i32
    %scan3A_43 = arith.constant 13 : i32
    %scan3A_44 = arith.addi %scan3A_42, %scan3A_43 : i32
    %scan3A_45 = arith.constant 1 : i32
    scf.for %scan3A_58 = %scan3A_42 to %scan3A_44 step %scan3A_45  : i32 {
      %mul3A_59 = arith.constant 2 : i32
      %mul3A_60 = arith.muli %scan3A_58, %mul3A_59 : i32
      %add3A_61 = arith.constant 1 : i32
      %add3A_62 = arith.addi %mul3A_60, %add3A_61 : i32
      %mul3A_63 = arith.constant 512 : i32
      %mul3A_64 = arith.muli %add3A_62, %mul3A_63 : i32
      %add3A_65 = arith.addi %mul3A_2, %mul3A_64 : i32
      %ge3A = arith.constant 2 : i32
      %ge3A_66 = arith.cmpi sge, %add3A_62, %ge3A : i32
      %convert_element_type3A = arith.extui %ge3A_66 : i1 to i32
      %cond3A = arith.constant 0 : i32
      %cond3A_67 = arith.cmpi ne, %convert_element_type3A, %cond3A : i32
      scf.if %cond3A_67 {
        %dma_wait3A_316 = arith.constant 0 : i32
        %dma_wait3A_317 = tpu.memref_slice %arg5[%add3A_65, %dma_wait3A_316] : memref<425984x32xf32, #tpu.memory_space<hbm>> -> memref<512x32xf32, #tpu.memory_space<hbm>>
        %dma_wait3A_318 = arith.constant 0 : i32
        %dma_wait3A_319 = tpu.memref_slice %arg5[%add3A_65, %dma_wait3A_318] : memref<425984x32xf32, #tpu.memory_space<hbm>> -> memref<512x32xf32, #tpu.memory_space<hbm>>
        tpu.wait_dma2 semaphore(%arg17 : memref<!tpu.dma_semaphore, #tpu.memory_space<semaphore_mem>>) src(%arg13 : memref<512x32xf32, #tpu.memory_space<vmem>>) dst(%dma_wait3A_319 : memref<512x32xf32, #tpu.memory_space<hbm>>)
      } else {
      }
      "tpu.region"() ({
        %run_scoped3A = tpu.sem_alloc : memref<!tpu.dma_semaphore, #tpu.memory_space<semaphore_mem>>
        %dma_start3A_316 = tpu.memref_slice %arg2[%add3A_65] : memref<425984xi32, #tpu.memory_space<hbm>> -> memref<512xi32, #tpu.memory_space<hbm>>
        %dma_start3A_317 = tpu.memref_slice %arg2[%add3A_65] : memref<425984xi32, #tpu.memory_space<hbm>> -> memref<512xi32, #tpu.memory_space<hbm>>
        tpu.enqueue_dma source(%dma_start3A_317 : memref<512xi32, #tpu.memory_space<hbm>>) target(%arg10 : memref<512xi32, #tpu.memory_space<vmem>>) target_semaphore(%run_scoped3A : memref<!tpu.dma_semaphore, #tpu.memory_space<semaphore_mem>>)
        %dma_wait3A_318 = tpu.memref_slice %arg2[%add3A_65] : memref<425984xi32, #tpu.memory_space<hbm>> -> memref<512xi32, #tpu.memory_space<hbm>>
        %dma_wait3A_319 = tpu.memref_slice %arg2[%add3A_65] : memref<425984xi32, #tpu.memory_space<hbm>> -> memref<512xi32, #tpu.memory_space<hbm>>
        tpu.wait_dma2 semaphore(%run_scoped3A : memref<!tpu.dma_semaphore, #tpu.memory_space<semaphore_mem>>) src(%dma_wait3A_319 : memref<512xi32, #tpu.memory_space<hbm>>) dst(%arg10 : memref<512xi32, #tpu.memory_space<vmem>>)
        tpu.yield
      }) : () -> ()
      %scan3A_68 = arith.constant 0 : i32
      %scan3A_69 = arith.constant 0 : i32
      %scan3A_70 = arith.constant 32 : i32
      %scan3A_71 = arith.addi %scan3A_69, %scan3A_70 : i32
      %scan3A_72 = arith.constant 1 : i32
      scf.for %scan3A_316 = %scan3A_69 to %scan3A_71 step %scan3A_72  : i32 {
        %mul3A_317 = arith.constant 16 : i32
        %mul3A_318 = arith.muli %scan3A_316, %mul3A_317 : i32
        %get3A = arith.index_cast %mul3A_318 : i32 to index
        %get3A_319 = tpu.vector_load %arg10[%get3A] {strides = array<i32>} : memref<512xi32, #tpu.memory_space<vmem>>, vector<16xi32>,
        %get3A_320 = vector.shape_cast %get3A_319 : vector<16xi32> to vector<16xi32>
        %shift_right_arithmetic3A = arith.constant 16 : i32
        %shift_right_arithmetic3A_321 = vector.broadcast %shift_right_arithmetic3A : i32 to vector<16xi32>
        %shift_right_arithmetic3A_322 = arith.shrsi %get3A_320, %shift_right_arithmetic3A_321 : vector<16xi32>
        %mul3A_323 = arith.constant 1024 : i32
        %mul3A_324 = vector.broadcast %mul3A_323 : i32 to vector<16xi32>
        %mul3A_325 = arith.muli %shift_right_arithmetic3A_322, %mul3A_324 : vector<16xi32>
        %rem3A = arith.constant 15625 : i32
        %rem3A_326 = vector.broadcast %rem3A : i32 to vector<16xi32>
        %rem3A_327 = arith.remsi %mul3A_325, %rem3A_326 : vector<16xi32>
        %lt3A_328 = arith.constant 0 : i32
        %lt3A_329 = vector.broadcast %lt3A_328 : i32 to vector<16xi32>
        %lt3A_330 = arith.cmpi slt, %rem3A_327, %lt3A_329 : vector<16xi32>
        %add3A_331 = arith.constant 15625 : i32
        %add3A_332 = vector.broadcast %add3A_331 : i32 to vector<16xi32>
        %add3A_333 = arith.addi %rem3A_327, %add3A_332 : vector<16xi32>
        %select_n3A = arith.select %lt3A_330, %add3A_333, %rem3A_327 : vector<16xi1>, vector<16xi32>
        %mul3A_334 = arith.constant 16 : i32
        %mul3A_335 = arith.muli %scan3A_316, %mul3A_334 : i32
        %swap3A = arith.index_cast %mul3A_335 : i32 to index
        %swap3A_336 = tpu.vector_load %arg11[%swap3A] {strides = array<i32>} : memref<512xi32, #tpu.memory_space<vmem>>, vector<16xi32>,
        %swap3A_337 = vector.shape_cast %swap3A_336 : vector<16xi32> to vector<16xi32>
        %swap3A_338 = vector.shape_cast %select_n3A : vector<16xi32> to vector<16xi32>
        tpu.vector_store %arg11[%swap3A], %swap3A_338 {strides = array<i32>} : memref<512xi32, #tpu.memory_space<vmem>>, vector<16xi32>,
        %and3A = arith.constant 65535 : i32
        %and3A_339 = vector.broadcast %and3A : i32 to vector<16xi32>
        %and3A_340 = arith.andi %get3A_320, %and3A_339 : vector<16xi32>
        %mul3A_341 = arith.constant 16 : i32
        %mul3A_342 = arith.muli %scan3A_316, %mul3A_341 : i32
        %swap3A_343 = arith.index_cast %mul3A_342 : i32 to index
        %swap3A_344 = tpu.vector_load %arg12[%swap3A_343] {strides = array<i32>} : memref<512xi32, #tpu.memory_space<vmem>>, vector<16xi32>,
        %swap3A_345 = vector.shape_cast %swap3A_344 : vector<16xi32> to vector<16xi32>
        %swap3A_346 = vector.shape_cast %and3A_340 : vector<16xi32> to vector<16xi32>
        tpu.vector_store %arg12[%swap3A_343], %swap3A_346 {strides = array<i32>} : memref<512xi32, #tpu.memory_space<vmem>>, vector<16xi32>,
      }
      %scan3A_73 = arith.constant 32 : i32
      %dma_start3A_74 = arith.constant 0 : i32
      %dma_start3A_75 = arith.constant 0 : i32
      %dma_start3A_76 = tpu.memref_slice %arg13[%dma_start3A_74, %dma_start3A_75] : memref<512x32xf32, #tpu.memory_space<vmem>> -> memref<128x32xf32, #tpu.memory_space<vmem>>
      %dma_start3A_77 = arith.constant 0 : i32
      %dma_start3A_78 = tpu.memref_slice %arg11[%dma_start3A_77] : memref<512xi32, #tpu.memory_space<vmem>> -> memref<128xi32, #tpu.memory_space<vmem>>
      %dma_start3A_79 = arith.constant 0 : i32
      %dma_start3A_80 = arith.constant 0 : i32
      %dma_start3A_81 = tpu.memref_slice %arg3[%dma_start3A_79, %dma_start3A_80] : memref<15744x32xf32, #tpu.memory_space<hbm>> -> memref<15744x32xf32, #tpu.memory_space<hbm>>
      tpu.enqueue_indirect_dma source(%dma_start3A_81 : memref<15744x32xf32, #tpu.memory_space<hbm>>) target(%dma_start3A_76 : memref<128x32xf32, #tpu.memory_space<vmem>>) offsets(%dma_start3A_78 : memref<128xi32, #tpu.memory_space<vmem>>) semaphore(%arg15 : memref<!tpu.dma_semaphore, #tpu.memory_space<semaphore_mem>>)
      %dma_start3A_82 = arith.constant 128 : i32
      %dma_start3A_83 = arith.constant 0 : i32
      %dma_start3A_84 = tpu.memref_slice %arg13[%dma_start3A_82, %dma_start3A_83] : memref<512x32xf32, #tpu.memory_space<vmem>> -> memref<128x32xf32, #tpu.memory_space<vmem>>
      %dma_start3A_85 = arith.constant 128 : i32
      %dma_start3A_86 = tpu.memref_slice %arg11[%dma_start3A_85] : memref<512xi32, #tpu.memory_space<vmem>> -> memref<128xi32, #tpu.memory_space<vmem>>
      %dma_start3A_87 = arith.constant 0 : i32
      %dma_start3A_88 = arith.constant 0 : i32
      %dma_start3A_89 = tpu.memref_slice %arg3[%dma_start3A_87, %dma_start3A_88] : memref<15744x32xf32, #tpu.memory_space<hbm>> -> memref<15744x32xf32, #tpu.memory_space<hbm>>
      tpu.enqueue_indirect_dma source(%dma_start3A_89 : memref<15744x32xf32, #tpu.memory_space<hbm>>) target(%dma_start3A_84 : memref<128x32xf32, #tpu.memory_space<vmem>>) offsets(%dma_start3A_86 : memref<128xi32, #tpu.memory_space<vmem>>) semaphore(%arg15 : memref<!tpu.dma_semaphore, #tpu.memory_space<semaphore_mem>>)
      %dma_start3A_90 = arith.constant 256 : i32
      %dma_start3A_91 = arith.constant 0 : i32
      %dma_start3A_92 = tpu.memref_slice %arg13[%dma_start3A_90, %dma_start3A_91] : memref<512x32xf32, #tpu.memory_space<vmem>> -> memref<128x32xf32, #tpu.memory_space<vmem>>
      %dma_start3A_93 = arith.constant 256 : i32
      %dma_start3A_94 = tpu.memref_slice %arg11[%dma_start3A_93] : memref<512xi32, #tpu.memory_space<vmem>> -> memref<128xi32, #tpu.memory_space<vmem>>
      %dma_start3A_95 = arith.constant 0 : i32
      %dma_start3A_96 = arith.constant 0 : i32
      %dma_start3A_97 = tpu.memref_slice %arg3[%dma_start3A_95, %dma_start3A_96] : memref<15744x32xf32, #tpu.memory_space<hbm>> -> memref<15744x32xf32, #tpu.memory_space<hbm>>
      tpu.enqueue_indirect_dma source(%dma_start3A_97 : memref<15744x32xf32, #tpu.memory_space<hbm>>) target(%dma_start3A_92 : memref<128x32xf32, #tpu.memory_space<vmem>>) offsets(%dma_start3A_94 : memref<128xi32, #tpu.memory_space<vmem>>) semaphore(%arg15 : memref<!tpu.dma_semaphore, #tpu.memory_space<semaphore_mem>>)
      %dma_start3A_98 = arith.constant 384 : i32
      %dma_start3A_99 = arith.constant 0 : i32
      %dma_start3A_100 = tpu.memref_slice %arg13[%dma_start3A_98, %dma_start3A_99] : memref<512x32xf32, #tpu.memory_space<vmem>> -> memref<128x32xf32, #tpu.memory_space<vmem>>
      %dma_start3A_101 = arith.constant 384 : i32
      %dma_start3A_102 = tpu.memref_slice %arg11[%dma_start3A_101] : memref<512xi32, #tpu.memory_space<vmem>> -> memref<128xi32, #tpu.memory_space<vmem>>
      %dma_start3A_103 = arith.constant 0 : i32
      %dma_start3A_104 = arith.constant 0 : i32
      %dma_start3A_105 = tpu.memref_slice %arg3[%dma_start3A_103, %dma_start3A_104] : memref<15744x32xf32, #tpu.memory_space<hbm>> -> memref<15744x32xf32, #tpu.memory_space<hbm>>
      tpu.enqueue_indirect_dma source(%dma_start3A_105 : memref<15744x32xf32, #tpu.memory_space<hbm>>) target(%dma_start3A_100 : memref<128x32xf32, #tpu.memory_space<vmem>>) offsets(%dma_start3A_102 : memref<128xi32, #tpu.memory_space<vmem>>) semaphore(%arg15 : memref<!tpu.dma_semaphore, #tpu.memory_space<semaphore_mem>>)
      %dma_wait3A_106 = arith.constant 0 : i32
      %dma_wait3A_107 = arith.constant 0 : i32
      %dma_wait3A_108 = tpu.memref_slice %arg9[%dma_wait3A_106, %dma_wait3A_107] : memref<512x32xf32, #tpu.memory_space<vmem>> -> memref<128x32xf32, #tpu.memory_space<vmem>>
      %dma_wait3A_109 = arith.constant 0 : i32
      %dma_wait3A_110 = tpu.memref_slice %arg7[%dma_wait3A_109] : memref<512xi32, #tpu.memory_space<vmem>> -> memref<128xi32, #tpu.memory_space<vmem>>
      %dma_wait3A_111 = arith.constant 0 : i32
      %dma_wait3A_112 = arith.constant 0 : i32
      %dma_wait3A_113 = tpu.memref_slice %arg3[%dma_wait3A_111, %dma_wait3A_112] : memref<15744x32xf32, #tpu.memory_space<hbm>> -> memref<15744x32xf32, #tpu.memory_space<hbm>>
      tpu.wait_indirect_dma semaphore(%arg14 : memref<!tpu.dma_semaphore, #tpu.memory_space<semaphore_mem>>) src(%dma_wait3A_113 : memref<15744x32xf32, #tpu.memory_space<hbm>>) dst(%dma_wait3A_108 : memref<128x32xf32, #tpu.memory_space<vmem>>)
      %dma_wait3A_114 = arith.constant 128 : i32
      %dma_wait3A_115 = arith.constant 0 : i32
      %dma_wait3A_116 = tpu.memref_slice %arg9[%dma_wait3A_114, %dma_wait3A_115] : memref<512x32xf32, #tpu.memory_space<vmem>> -> memref<128x32xf32, #tpu.memory_space<vmem>>
      %dma_wait3A_117 = arith.constant 128 : i32
      %dma_wait3A_118 = tpu.memref_slice %arg7[%dma_wait3A_117] : memref<512xi32, #tpu.memory_space<vmem>> -> memref<128xi32, #tpu.memory_space<vmem>>
      %dma_wait3A_119 = arith.constant 0 : i32
      %dma_wait3A_120 = arith.constant 0 : i32
      %dma_wait3A_121 = tpu.memref_slice %arg3[%dma_wait3A_119, %dma_wait3A_120] : memref<15744x32xf32, #tpu.memory_space<hbm>> -> memref<15744x32xf32, #tpu.memory_space<hbm>>
      tpu.wait_indirect_dma semaphore(%arg14 : memref<!tpu.dma_semaphore, #tpu.memory_space<semaphore_mem>>) src(%dma_wait3A_121 : memref<15744x32xf32, #tpu.memory_space<hbm>>) dst(%dma_wait3A_116 : memref<128x32xf32, #tpu.memory_space<vmem>>)
      %dma_wait3A_122 = arith.constant 256 : i32
      %dma_wait3A_123 = arith.constant 0 : i32
      %dma_wait3A_124 = tpu.memref_slice %arg9[%dma_wait3A_122, %dma_wait3A_123] : memref<512x32xf32, #tpu.memory_space<vmem>> -> memref<128x32xf32, #tpu.memory_space<vmem>>
      %dma_wait3A_125 = arith.constant 256 : i32
      %dma_wait3A_126 = tpu.memref_slice %arg7[%dma_wait3A_125] : memref<512xi32, #tpu.memory_space<vmem>> -> memref<128xi32, #tpu.memory_space<vmem>>
      %dma_wait3A_127 = arith.constant 0 : i32
      %dma_wait3A_128 = arith.constant 0 : i32
      %dma_wait3A_129 = tpu.memref_slice %arg3[%dma_wait3A_127, %dma_wait3A_128] : memref<15744x32xf32, #tpu.memory_space<hbm>> -> memref<15744x32xf32, #tpu.memory_space<hbm>>
      tpu.wait_indirect_dma semaphore(%arg14 : memref<!tpu.dma_semaphore, #tpu.memory_space<semaphore_mem>>) src(%dma_wait3A_129 : memref<15744x32xf32, #tpu.memory_space<hbm>>) dst(%dma_wait3A_124 : memref<128x32xf32, #tpu.memory_space<vmem>>)
      %dma_wait3A_130 = arith.constant 384 : i32
      %dma_wait3A_131 = arith.constant 0 : i32
      %dma_wait3A_132 = tpu.memref_slice %arg9[%dma_wait3A_130, %dma_wait3A_131] : memref<512x32xf32, #tpu.memory_space<vmem>> -> memref<128x32xf32, #tpu.memory_space<vmem>>
      %dma_wait3A_133 = arith.constant 384 : i32
      %dma_wait3A_134 = tpu.memref_slice %arg7[%dma_wait3A_133] : memref<512xi32, #tpu.memory_space<vmem>> -> memref<128xi32, #tpu.memory_space<vmem>>
      %dma_wait3A_135 = arith.constant 0 : i32
      %dma_wait3A_136 = arith.constant 0 : i32
      %dma_wait3A_137 = tpu.memref_slice %arg3[%dma_wait3A_135, %dma_wait3A_136] : memref<15744x32xf32, #tpu.memory_space<hbm>> -> memref<15744x32xf32, #tpu.memory_space<hbm>>
      tpu.wait_indirect_dma semaphore(%arg14 : memref<!tpu.dma_semaphore, #tpu.memory_space<semaphore_mem>>) src(%dma_wait3A_137 : memref<15744x32xf32, #tpu.memory_space<hbm>>) dst(%dma_wait3A_132 : memref<128x32xf32, #tpu.memory_space<vmem>>)
      %dma_start3A_138 = arith.constant 0 : i32
      %dma_start3A_139 = arith.constant 0 : i32
      %dma_start3A_140 = tpu.memref_slice %arg9[%dma_start3A_138, %dma_start3A_139] : memref<512x32xf32, #tpu.memory_space<vmem>> -> memref<128x32xf32, #tpu.memory_space<vmem>>
      %dma_start3A_141 = arith.constant 0 : i32
      %dma_start3A_142 = tpu.memref_slice %arg8[%dma_start3A_141] : memref<512xi32, #tpu.memory_space<vmem>> -> memref<128xi32, #tpu.memory_space<vmem>>
      %dma_start3A_143 = arith.constant 0 : i32
      %dma_start3A_144 = arith.constant 0 : i32
      %dma_start3A_145 = tpu.memref_slice %arg4[%dma_start3A_143, %dma_start3A_144] : memref<65536x32xf32, #tpu.memory_space<hbm>> -> memref<65536x32xf32, #tpu.memory_space<hbm>>
      tpu.enqueue_indirect_dma source(%dma_start3A_145 : memref<65536x32xf32, #tpu.memory_space<hbm>>) target(%dma_start3A_140 : memref<128x32xf32, #tpu.memory_space<vmem>>) offsets(%dma_start3A_142 : memref<128xi32, #tpu.memory_space<vmem>>) semaphore(%arg14 : memref<!tpu.dma_semaphore, #tpu.memory_space<semaphore_mem>>) {add = true}
      %dma_start3A_146 = arith.constant 128 : i32
      %dma_start3A_147 = arith.constant 0 : i32
      %dma_start3A_148 = tpu.memref_slice %arg9[%dma_start3A_146, %dma_start3A_147] : memref<512x32xf32, #tpu.memory_space<vmem>> -> memref<128x32xf32, #tpu.memory_space<vmem>>
      %dma_start3A_149 = arith.constant 128 : i32
      %dma_start3A_150 = tpu.memref_slice %arg8[%dma_start3A_149] : memref<512xi32, #tpu.memory_space<vmem>> -> memref<128xi32, #tpu.memory_space<vmem>>
      %dma_start3A_151 = arith.constant 0 : i32
      %dma_start3A_152 = arith.constant 0 : i32
      %dma_start3A_153 = tpu.memref_slice %arg4[%dma_start3A_151, %dma_start3A_152] : memref<65536x32xf32, #tpu.memory_space<hbm>> -> memref<65536x32xf32, #tpu.memory_space<hbm>>
      tpu.enqueue_indirect_dma source(%dma_start3A_153 : memref<65536x32xf32, #tpu.memory_space<hbm>>) target(%dma_start3A_148 : memref<128x32xf32, #tpu.memory_space<vmem>>) offsets(%dma_start3A_150 : memref<128xi32, #tpu.memory_space<vmem>>) semaphore(%arg14 : memref<!tpu.dma_semaphore, #tpu.memory_space<semaphore_mem>>) {add = true}
      %dma_start3A_154 = arith.constant 256 : i32
      %dma_start3A_155 = arith.constant 0 : i32
      %dma_start3A_156 = tpu.memref_slice %arg9[%dma_start3A_154, %dma_start3A_155] : memref<512x32xf32, #tpu.memory_space<vmem>> -> memref<128x32xf32, #tpu.memory_space<vmem>>
      %dma_start3A_157 = arith.constant 256 : i32
      %dma_start3A_158 = tpu.memref_slice %arg8[%dma_start3A_157] : memref<512xi32, #tpu.memory_space<vmem>> -> memref<128xi32, #tpu.memory_space<vmem>>
      %dma_start3A_159 = arith.constant 0 : i32
      %dma_start3A_160 = arith.constant 0 : i32
      %dma_start3A_161 = tpu.memref_slice %arg4[%dma_start3A_159, %dma_start3A_160] : memref<65536x32xf32, #tpu.memory_space<hbm>> -> memref<65536x32xf32, #tpu.memory_space<hbm>>
      tpu.enqueue_indirect_dma source(%dma_start3A_161 : memref<65536x32xf32, #tpu.memory_space<hbm>>) target(%dma_start3A_156 : memref<128x32xf32, #tpu.memory_space<vmem>>) offsets(%dma_start3A_158 : memref<128xi32, #tpu.memory_space<vmem>>) semaphore(%arg14 : memref<!tpu.dma_semaphore, #tpu.memory_space<semaphore_mem>>) {add = true}
      %dma_start3A_162 = arith.constant 384 : i32
      %dma_start3A_163 = arith.constant 0 : i32
      %dma_start3A_164 = tpu.memref_slice %arg9[%dma_start3A_162, %dma_start3A_163] : memref<512x32xf32, #tpu.memory_space<vmem>> -> memref<128x32xf32, #tpu.memory_space<vmem>>
      %dma_start3A_165 = arith.constant 384 : i32
      %dma_start3A_166 = tpu.memref_slice %arg8[%dma_start3A_165] : memref<512xi32, #tpu.memory_space<vmem>> -> memref<128xi32, #tpu.memory_space<vmem>>
      %dma_start3A_167 = arith.constant 0 : i32
      %dma_start3A_168 = arith.constant 0 : i32
      %dma_start3A_169 = tpu.memref_slice %arg4[%dma_start3A_167, %dma_start3A_168] : memref<65536x32xf32, #tpu.memory_space<hbm>> -> memref<65536x32xf32, #tpu.memory_space<hbm>>
      tpu.enqueue_indirect_dma source(%dma_start3A_169 : memref<65536x32xf32, #tpu.memory_space<hbm>>) target(%dma_start3A_164 : memref<128x32xf32, #tpu.memory_space<vmem>>) offsets(%dma_start3A_166 : memref<128xi32, #tpu.memory_space<vmem>>) semaphore(%arg14 : memref<!tpu.dma_semaphore, #tpu.memory_space<semaphore_mem>>) {add = true}
      %mul3A_170 = arith.constant 512 : i32
      %mul3A_171 = arith.muli %mul3A_60, %mul3A_170 : i32
      %add3A_172 = arith.addi %mul3A_2, %mul3A_171 : i32
      %dma_wait3A_173 = arith.constant 0 : i32
      %dma_wait3A_174 = arith.constant 0 : i32
      %dma_wait3A_175 = tpu.memref_slice %arg9[%dma_wait3A_173, %dma_wait3A_174] : memref<512x32xf32, #tpu.memory_space<vmem>> -> memref<128x32xf32, #tpu.memory_space<vmem>>
      %dma_wait3A_176 = arith.constant 0 : i32
      %dma_wait3A_177 = tpu.memref_slice %arg8[%dma_wait3A_176] : memref<512xi32, #tpu.memory_space<vmem>> -> memref<128xi32, #tpu.memory_space<vmem>>
      %dma_wait3A_178 = arith.constant 0 : i32
      %dma_wait3A_179 = arith.constant 0 : i32
      %dma_wait3A_180 = tpu.memref_slice %arg4[%dma_wait3A_178, %dma_wait3A_179] : memref<65536x32xf32, #tpu.memory_space<hbm>> -> memref<65536x32xf32, #tpu.memory_space<hbm>>
      tpu.wait_indirect_dma semaphore(%arg14 : memref<!tpu.dma_semaphore, #tpu.memory_space<semaphore_mem>>) src(%dma_wait3A_180 : memref<65536x32xf32, #tpu.memory_space<hbm>>) dst(%dma_wait3A_175 : memref<128x32xf32, #tpu.memory_space<vmem>>)
      %dma_wait3A_181 = arith.constant 128 : i32
      %dma_wait3A_182 = arith.constant 0 : i32
      %dma_wait3A_183 = tpu.memref_slice %arg9[%dma_wait3A_181, %dma_wait3A_182] : memref<512x32xf32, #tpu.memory_space<vmem>> -> memref<128x32xf32, #tpu.memory_space<vmem>>
      %dma_wait3A_184 = arith.constant 128 : i32
      %dma_wait3A_185 = tpu.memref_slice %arg8[%dma_wait3A_184] : memref<512xi32, #tpu.memory_space<vmem>> -> memref<128xi32, #tpu.memory_space<vmem>>
      %dma_wait3A_186 = arith.constant 0 : i32
      %dma_wait3A_187 = arith.constant 0 : i32
      %dma_wait3A_188 = tpu.memref_slice %arg4[%dma_wait3A_186, %dma_wait3A_187] : memref<65536x32xf32, #tpu.memory_space<hbm>> -> memref<65536x32xf32, #tpu.memory_space<hbm>>
      tpu.wait_indirect_dma semaphore(%arg14 : memref<!tpu.dma_semaphore, #tpu.memory_space<semaphore_mem>>) src(%dma_wait3A_188 : memref<65536x32xf32, #tpu.memory_space<hbm>>) dst(%dma_wait3A_183 : memref<128x32xf32, #tpu.memory_space<vmem>>)
      %dma_wait3A_189 = arith.constant 256 : i32
      %dma_wait3A_190 = arith.constant 0 : i32
      %dma_wait3A_191 = tpu.memref_slice %arg9[%dma_wait3A_189, %dma_wait3A_190] : memref<512x32xf32, #tpu.memory_space<vmem>> -> memref<128x32xf32, #tpu.memory_space<vmem>>
      %dma_wait3A_192 = arith.constant 256 : i32
      %dma_wait3A_193 = tpu.memref_slice %arg8[%dma_wait3A_192] : memref<512xi32, #tpu.memory_space<vmem>> -> memref<128xi32, #tpu.memory_space<vmem>>
      %dma_wait3A_194 = arith.constant 0 : i32
      %dma_wait3A_195 = arith.constant 0 : i32
      %dma_wait3A_196 = tpu.memref_slice %arg4[%dma_wait3A_194, %dma_wait3A_195] : memref<65536x32xf32, #tpu.memory_space<hbm>> -> memref<65536x32xf32, #tpu.memory_space<hbm>>
      tpu.wait_indirect_dma semaphore(%arg14 : memref<!tpu.dma_semaphore, #tpu.memory_space<semaphore_mem>>) src(%dma_wait3A_196 : memref<65536x32xf32, #tpu.memory_space<hbm>>) dst(%dma_wait3A_191 : memref<128x32xf32, #tpu.memory_space<vmem>>)
      %dma_wait3A_197 = arith.constant 384 : i32
      %dma_wait3A_198 = arith.constant 0 : i32
      %dma_wait3A_199 = tpu.memref_slice %arg9[%dma_wait3A_197, %dma_wait3A_198] : memref<512x32xf32, #tpu.memory_space<vmem>> -> memref<128x32xf32, #tpu.memory_space<vmem>>
      %dma_wait3A_200 = arith.constant 384 : i32
      %dma_wait3A_201 = tpu.memref_slice %arg8[%dma_wait3A_200] : memref<512xi32, #tpu.memory_space<vmem>> -> memref<128xi32, #tpu.memory_space<vmem>>
      %dma_wait3A_202 = arith.constant 0 : i32
      %dma_wait3A_203 = arith.constant 0 : i32
      %dma_wait3A_204 = tpu.memref_slice %arg4[%dma_wait3A_202, %dma_wait3A_203] : memref<65536x32xf32, #tpu.memory_space<hbm>> -> memref<65536x32xf32, #tpu.memory_space<hbm>>
      tpu.wait_indirect_dma semaphore(%arg14 : memref<!tpu.dma_semaphore, #tpu.memory_space<semaphore_mem>>) src(%dma_wait3A_204 : memref<65536x32xf32, #tpu.memory_space<hbm>>) dst(%dma_wait3A_199 : memref<128x32xf32, #tpu.memory_space<vmem>>)
      %dma_start3A_205 = arith.constant 0 : i32
      %dma_start3A_206 = tpu.memref_slice %arg5[%add3A_172, %dma_start3A_205] : memref<425984x32xf32, #tpu.memory_space<hbm>> -> memref<512x32xf32, #tpu.memory_space<hbm>>
      %dma_start3A_207 = arith.constant 0 : i32
      %dma_start3A_208 = tpu.memref_slice %arg5[%add3A_172, %dma_start3A_207] : memref<425984x32xf32, #tpu.memory_space<hbm>> -> memref<512x32xf32, #tpu.memory_space<hbm>>
      tpu.enqueue_dma source(%arg9 : memref<512x32xf32, #tpu.memory_space<vmem>>) target(%dma_start3A_208 : memref<512x32xf32, #tpu.memory_space<hbm>>) target_semaphore(%arg16 : memref<!tpu.dma_semaphore, #tpu.memory_space<semaphore_mem>>)
      %lt3A = arith.constant 12 : i32
      %lt3A_209 = arith.cmpi slt, %scan3A_58, %lt3A : i32
      %convert_element_type3A_210 = arith.extui %lt3A_209 : i1 to i32
      %cond3A_211 = arith.constant 0 : i32
      %cond3A_212 = arith.cmpi ne, %convert_element_type3A_210, %cond3A_211 : i32
      scf.if %cond3A_212 {
        %add3A_316 = arith.constant 2 : i32
        %add3A_317 = arith.addi %mul3A_60, %add3A_316 : i32
        %mul3A_318 = arith.constant 512 : i32
        %mul3A_319 = arith.muli %add3A_317, %mul3A_318 : i32
        %add3A_320 = arith.addi %mul3A_2, %mul3A_319 : i32
        %ge3A_321 = arith.constant 2 : i32
        %ge3A_322 = arith.cmpi sge, %add3A_317, %ge3A_321 : i32
        %convert_element_type3A_323 = arith.extui %ge3A_322 : i1 to i32
        %cond3A_324 = arith.constant 0 : i32
        %cond3A_325 = arith.cmpi ne, %convert_element_type3A_323, %cond3A_324 : i32
        scf.if %cond3A_325 {
          %dma_wait3A_364 = arith.constant 0 : i32
          %dma_wait3A_365 = tpu.memref_slice %arg5[%add3A_320, %dma_wait3A_364] : memref<425984x32xf32, #tpu.memory_space<hbm>> -> memref<512x32xf32, #tpu.memory_space<hbm>>
          %dma_wait3A_366 = arith.constant 0 : i32
          %dma_wait3A_367 = tpu.memref_slice %arg5[%add3A_320, %dma_wait3A_366] : memref<425984x32xf32, #tpu.memory_space<hbm>> -> memref<512x32xf32, #tpu.memory_space<hbm>>
          tpu.wait_dma2 semaphore(%arg16 : memref<!tpu.dma_semaphore, #tpu.memory_space<semaphore_mem>>) src(%arg9 : memref<512x32xf32, #tpu.memory_space<vmem>>) dst(%dma_wait3A_367 : memref<512x32xf32, #tpu.memory_space<hbm>>)
        } else {
        }
        "tpu.region"() ({
          %run_scoped3A = tpu.sem_alloc : memref<!tpu.dma_semaphore, #tpu.memory_space<semaphore_mem>>
          %dma_start3A_364 = tpu.memref_slice %arg2[%add3A_320] : memref<425984xi32, #tpu.memory_space<hbm>> -> memref<512xi32, #tpu.memory_space<hbm>>
          %dma_start3A_365 = tpu.memref_slice %arg2[%add3A_320] : memref<425984xi32, #tpu.memory_space<hbm>> -> memref<512xi32, #tpu.memory_space<hbm>>
          tpu.enqueue_dma source(%dma_start3A_365 : memref<512xi32, #tpu.memory_space<hbm>>) target(%arg6 : memref<512xi32, #tpu.memory_space<vmem>>) target_semaphore(%run_scoped3A : memref<!tpu.dma_semaphore, #tpu.memory_space<semaphore_mem>>)
          %dma_wait3A_366 = tpu.memref_slice %arg2[%add3A_320] : memref<425984xi32, #tpu.memory_space<hbm>> -> memref<512xi32, #tpu.memory_space<hbm>>
          %dma_wait3A_367 = tpu.memref_slice %arg2[%add3A_320] : memref<425984xi32, #tpu.memory_space<hbm>> -> memref<512xi32, #tpu.memory_space<hbm>>
          tpu.wait_dma2 semaphore(%run_scoped3A : memref<!tpu.dma_semaphore, #tpu.memory_space<semaphore_mem>>) src(%dma_wait3A_367 : memref<512xi32, #tpu.memory_space<hbm>>) dst(%arg6 : memref<512xi32, #tpu.memory_space<vmem>>)
          tpu.yield
        }) : () -> ()
        %scan3A_326 = arith.constant 0 : i32
        %scan3A_327 = arith.constant 0 : i32
        %scan3A_328 = arith.constant 32 : i32
        %scan3A_329 = arith.addi %scan3A_327, %scan3A_328 : i32
        %scan3A_330 = arith.constant 1 : i32
        scf.for %scan3A_364 = %scan3A_327 to %scan3A_329 step %scan3A_330  : i32 {
          %mul3A_365 = arith.constant 16 : i32
          %mul3A_366 = arith.muli %scan3A_364, %mul3A_365 : i32
          %get3A = arith.index_cast %mul3A_366 : i32 to index
          %get3A_367 = tpu.vector_load %arg6[%get3A] {strides = array<i32>} : memref<512xi32, #tpu.memory_space<vmem>>, vector<16xi32>,
          %get3A_368 = vector.shape_cast %get3A_367 : vector<16xi32> to vector<16xi32>
          %shift_right_arithmetic3A = arith.constant 16 : i32
          %shift_right_arithmetic3A_369 = vector.broadcast %shift_right_arithmetic3A : i32 to vector<16xi32>
          %shift_right_arithmetic3A_370 = arith.shrsi %get3A_368, %shift_right_arithmetic3A_369 : vector<16xi32>
          %mul3A_371 = arith.constant 1024 : i32
          %mul3A_372 = vector.broadcast %mul3A_371 : i32 to vector<16xi32>
          %mul3A_373 = arith.muli %shift_right_arithmetic3A_370, %mul3A_372 : vector<16xi32>
          %rem3A = arith.constant 15625 : i32
          %rem3A_374 = vector.broadcast %rem3A : i32 to vector<16xi32>
          %rem3A_375 = arith.remsi %mul3A_373, %rem3A_374 : vector<16xi32>
          %lt3A_376 = arith.constant 0 : i32
          %lt3A_377 = vector.broadcast %lt3A_376 : i32 to vector<16xi32>
          %lt3A_378 = arith.cmpi slt, %rem3A_375, %lt3A_377 : vector<16xi32>
          %add3A_379 = arith.constant 15625 : i32
          %add3A_380 = vector.broadcast %add3A_379 : i32 to vector<16xi32>
          %add3A_381 = arith.addi %rem3A_375, %add3A_380 : vector<16xi32>
          %select_n3A = arith.select %lt3A_378, %add3A_381, %rem3A_375 : vector<16xi1>, vector<16xi32>
          %mul3A_382 = arith.constant 16 : i32
          %mul3A_383 = arith.muli %scan3A_364, %mul3A_382 : i32
          %swap3A = arith.index_cast %mul3A_383 : i32 to index
          %swap3A_384 = tpu.vector_load %arg7[%swap3A] {strides = array<i32>} : memref<512xi32, #tpu.memory_space<vmem>>, vector<16xi32>,
          %swap3A_385 = vector.shape_cast %swap3A_384 : vector<16xi32> to vector<16xi32>
          %swap3A_386 = vector.shape_cast %select_n3A : vector<16xi32> to vector<16xi32>
          tpu.vector_store %arg7[%swap3A], %swap3A_386 {strides = array<i32>} : memref<512xi32, #tpu.memory_space<vmem>>, vector<16xi32>,
          %and3A = arith.constant 65535 : i32
          %and3A_387 = vector.broadcast %and3A : i32 to vector<16xi32>
          %and3A_388 = arith.andi %get3A_368, %and3A_387 : vector<16xi32>
          %mul3A_389 = arith.constant 16 : i32
          %mul3A_390 = arith.muli %scan3A_364, %mul3A_389 : i32
          %swap3A_391 = arith.index_cast %mul3A_390 : i32 to index
          %swap3A_392 = tpu.vector_load %arg8[%swap3A_391] {strides = array<i32>} : memref<512xi32, #tpu.memory_space<vmem>>, vector<16xi32>,
          %swap3A_393 = vector.shape_cast %swap3A_392 : vector<16xi32> to vector<16xi32>
          %swap3A_394 = vector.shape_cast %and3A_388 : vector<16xi32> to vector<16xi32>
          tpu.vector_store %arg8[%swap3A_391], %swap3A_394 {strides = array<i32>} : memref<512xi32, #tpu.memory_space<vmem>>, vector<16xi32>,
        }
        %scan3A_331 = arith.constant 32 : i32
        %dma_start3A_332 = arith.constant 0 : i32
        %dma_start3A_333 = arith.constant 0 : i32
        %dma_start3A_334 = tpu.memref_slice %arg9[%dma_start3A_332, %dma_start3A_333] : memref<512x32xf32, #tpu.memory_space<vmem>> -> memref<128x32xf32, #tpu.memory_space<vmem>>
        %dma_start3A_335 = arith.constant 0 : i32
        %dma_start3A_336 = tpu.memref_slice %arg7[%dma_start3A_335] : memref<512xi32, #tpu.memory_space<vmem>> -> memref<128xi32, #tpu.memory_space<vmem>>
        %dma_start3A_337 = arith.constant 0 : i32
        %dma_start3A_338 = arith.constant 0 : i32
        %dma_start3A_339 = tpu.memref_slice %arg3[%dma_start3A_337, %dma_start3A_338] : memref<15744x32xf32, #tpu.memory_space<hbm>> -> memref<15744x32xf32, #tpu.memory_space<hbm>>
        tpu.enqueue_indirect_dma source(%dma_start3A_339 : memref<15744x32xf32, #tpu.memory_space<hbm>>) target(%dma_start3A_334 : memref<128x32xf32, #tpu.memory_space<vmem>>) offsets(%dma_start3A_336 : memref<128xi32, #tpu.memory_space<vmem>>) semaphore(%arg14 : memref<!tpu.dma_semaphore, #tpu.memory_space<semaphore_mem>>)
        %dma_start3A_340 = arith.constant 128 : i32
        %dma_start3A_341 = arith.constant 0 : i32
        %dma_start3A_342 = tpu.memref_slice %arg9[%dma_start3A_340, %dma_start3A_341] : memref<512x32xf32, #tpu.memory_space<vmem>> -> memref<128x32xf32, #tpu.memory_space<vmem>>
        %dma_start3A_343 = arith.constant 128 : i32
        %dma_start3A_344 = tpu.memref_slice %arg7[%dma_start3A_343] : memref<512xi32, #tpu.memory_space<vmem>> -> memref<128xi32, #tpu.memory_space<vmem>>
        %dma_start3A_345 = arith.constant 0 : i32
        %dma_start3A_346 = arith.constant 0 : i32
        %dma_start3A_347 = tpu.memref_slice %arg3[%dma_start3A_345, %dma_start3A_346] : memref<15744x32xf32, #tpu.memory_space<hbm>> -> memref<15744x32xf32, #tpu.memory_space<hbm>>
        tpu.enqueue_indirect_dma source(%dma_start3A_347 : memref<15744x32xf32, #tpu.memory_space<hbm>>) target(%dma_start3A_342 : memref<128x32xf32, #tpu.memory_space<vmem>>) offsets(%dma_start3A_344 : memref<128xi32, #tpu.memory_space<vmem>>) semaphore(%arg14 : memref<!tpu.dma_semaphore, #tpu.memory_space<semaphore_mem>>)
        %dma_start3A_348 = arith.constant 256 : i32
        %dma_start3A_349 = arith.constant 0 : i32
        %dma_start3A_350 = tpu.memref_slice %arg9[%dma_start3A_348, %dma_start3A_349] : memref<512x32xf32, #tpu.memory_space<vmem>> -> memref<128x32xf32, #tpu.memory_space<vmem>>
        %dma_start3A_351 = arith.constant 256 : i32
        %dma_start3A_352 = tpu.memref_slice %arg7[%dma_start3A_351] : memref<512xi32, #tpu.memory_space<vmem>> -> memref<128xi32, #tpu.memory_space<vmem>>
        %dma_start3A_353 = arith.constant 0 : i32
        %dma_start3A_354 = arith.constant 0 : i32
        %dma_start3A_355 = tpu.memref_slice %arg3[%dma_start3A_353, %dma_start3A_354] : memref<15744x32xf32, #tpu.memory_space<hbm>> -> memref<15744x32xf32, #tpu.memory_space<hbm>>
        tpu.enqueue_indirect_dma source(%dma_start3A_355 : memref<15744x32xf32, #tpu.memory_space<hbm>>) target(%dma_start3A_350 : memref<128x32xf32, #tpu.memory_space<vmem>>) offsets(%dma_start3A_352 : memref<128xi32, #tpu.memory_space<vmem>>) semaphore(%arg14 : memref<!tpu.dma_semaphore, #tpu.memory_space<semaphore_mem>>)
        %dma_start3A_356 = arith.constant 384 : i32
        %dma_start3A_357 = arith.constant 0 : i32
        %dma_start3A_358 = tpu.memref_slice %arg9[%dma_start3A_356, %dma_start3A_357] : memref<512x32xf32, #tpu.memory_space<vmem>> -> memref<128x32xf32, #tpu.memory_space<vmem>>
        %dma_start3A_359 = arith.constant 384 : i32
        %dma_start3A_360 = tpu.memref_slice %arg7[%dma_start3A_359] : memref<512xi32, #tpu.memory_space<vmem>> -> memref<128xi32, #tpu.memory_space<vmem>>
        %dma_start3A_361 = arith.constant 0 : i32
        %dma_start3A_362 = arith.constant 0 : i32
        %dma_start3A_363 = tpu.memref_slice %arg3[%dma_start3A_361, %dma_start3A_362] : memref<15744x32xf32, #tpu.memory_space<hbm>> -> memref<15744x32xf32, #tpu.memory_space<hbm>>
        tpu.enqueue_indirect_dma source(%dma_start3A_363 : memref<15744x32xf32, #tpu.memory_space<hbm>>) target(%dma_start3A_358 : memref<128x32xf32, #tpu.memory_space<vmem>>) offsets(%dma_start3A_360 : memref<128xi32, #tpu.memory_space<vmem>>) semaphore(%arg14 : memref<!tpu.dma_semaphore, #tpu.memory_space<semaphore_mem>>)
      } else {
      }
      %dma_wait3A_213 = arith.constant 0 : i32
      %dma_wait3A_214 = arith.constant 0 : i32
      %dma_wait3A_215 = tpu.memref_slice %arg13[%dma_wait3A_213, %dma_wait3A_214] : memref<512x32xf32, #tpu.memory_space<vmem>> -> memref<128x32xf32, #tpu.memory_space<vmem>>
      %dma_wait3A_216 = arith.constant 0 : i32
      %dma_wait3A_217 = tpu.memref_slice %arg11[%dma_wait3A_216] : memref<512xi32, #tpu.memory_space<vmem>> -> memref<128xi32, #tpu.memory_space<vmem>>
      %dma_wait3A_218 = arith.constant 0 : i32
      %dma_wait3A_219 = arith.constant 0 : i32
      %dma_wait3A_220 = tpu.memref_slice %arg3[%dma_wait3A_218, %dma_wait3A_219] : memref<15744x32xf32, #tpu.memory_space<hbm>> -> memref<15744x32xf32, #tpu.memory_space<hbm>>
      tpu.wait_indirect_dma semaphore(%arg15 : memref<!tpu.dma_semaphore, #tpu.memory_space<semaphore_mem>>) src(%dma_wait3A_220 : memref<15744x32xf32, #tpu.memory_space<hbm>>) dst(%dma_wait3A_215 : memref<128x32xf32, #tpu.memory_space<vmem>>)
      %dma_wait3A_221 = arith.constant 128 : i32
      %dma_wait3A_222 = arith.constant 0 : i32
      %dma_wait3A_223 = tpu.memref_slice %arg13[%dma_wait3A_221, %dma_wait3A_222] : memref<512x32xf32, #tpu.memory_space<vmem>> -> memref<128x32xf32, #tpu.memory_space<vmem>>
      %dma_wait3A_224 = arith.constant 128 : i32
      %dma_wait3A_225 = tpu.memref_slice %arg11[%dma_wait3A_224] : memref<512xi32, #tpu.memory_space<vmem>> -> memref<128xi32, #tpu.memory_space<vmem>>
      %dma_wait3A_226 = arith.constant 0 : i32
      %dma_wait3A_227 = arith.constant 0 : i32
      %dma_wait3A_228 = tpu.memref_slice %arg3[%dma_wait3A_226, %dma_wait3A_227] : memref<15744x32xf32, #tpu.memory_space<hbm>> -> memref<15744x32xf32, #tpu.memory_space<hbm>>
      tpu.wait_indirect_dma semaphore(%arg15 : memref<!tpu.dma_semaphore, #tpu.memory_space<semaphore_mem>>) src(%dma_wait3A_228 : memref<15744x32xf32, #tpu.memory_space<hbm>>) dst(%dma_wait3A_223 : memref<128x32xf32, #tpu.memory_space<vmem>>)
      %dma_wait3A_229 = arith.constant 256 : i32
      %dma_wait3A_230 = arith.constant 0 : i32
      %dma_wait3A_231 = tpu.memref_slice %arg13[%dma_wait3A_229, %dma_wait3A_230] : memref<512x32xf32, #tpu.memory_space<vmem>> -> memref<128x32xf32, #tpu.memory_space<vmem>>
      %dma_wait3A_232 = arith.constant 256 : i32
      %dma_wait3A_233 = tpu.memref_slice %arg11[%dma_wait3A_232] : memref<512xi32, #tpu.memory_space<vmem>> -> memref<128xi32, #tpu.memory_space<vmem>>
      %dma_wait3A_234 = arith.constant 0 : i32
      %dma_wait3A_235 = arith.constant 0 : i32
      %dma_wait3A_236 = tpu.memref_slice %arg3[%dma_wait3A_234, %dma_wait3A_235] : memref<15744x32xf32, #tpu.memory_space<hbm>> -> memref<15744x32xf32, #tpu.memory_space<hbm>>
      tpu.wait_indirect_dma semaphore(%arg15 : memref<!tpu.dma_semaphore, #tpu.memory_space<semaphore_mem>>) src(%dma_wait3A_236 : memref<15744x32xf32, #tpu.memory_space<hbm>>) dst(%dma_wait3A_231 : memref<128x32xf32, #tpu.memory_space<vmem>>)
      %dma_wait3A_237 = arith.constant 384 : i32
      %dma_wait3A_238 = arith.constant 0 : i32
      %dma_wait3A_239 = tpu.memref_slice %arg13[%dma_wait3A_237, %dma_wait3A_238] : memref<512x32xf32, #tpu.memory_space<vmem>> -> memref<128x32xf32, #tpu.memory_space<vmem>>
      %dma_wait3A_240 = arith.constant 384 : i32
      %dma_wait3A_241 = tpu.memref_slice %arg11[%dma_wait3A_240] : memref<512xi32, #tpu.memory_space<vmem>> -> memref<128xi32, #tpu.memory_space<vmem>>
      %dma_wait3A_242 = arith.constant 0 : i32
      %dma_wait3A_243 = arith.constant 0 : i32
      %dma_wait3A_244 = tpu.memref_slice %arg3[%dma_wait3A_242, %dma_wait3A_243] : memref<15744x32xf32, #tpu.memory_space<hbm>> -> memref<15744x32xf32, #tpu.memory_space<hbm>>
      tpu.wait_indirect_dma semaphore(%arg15 : memref<!tpu.dma_semaphore, #tpu.memory_space<semaphore_mem>>) src(%dma_wait3A_244 : memref<15744x32xf32, #tpu.memory_space<hbm>>) dst(%dma_wait3A_239 : memref<128x32xf32, #tpu.memory_space<vmem>>)
      %dma_start3A_245 = arith.constant 0 : i32
      %dma_start3A_246 = arith.constant 0 : i32
      %dma_start3A_247 = tpu.memref_slice %arg13[%dma_start3A_245, %dma_start3A_246] : memref<512x32xf32, #tpu.memory_space<vmem>> -> memref<128x32xf32, #tpu.memory_space<vmem>>
      %dma_start3A_248 = arith.constant 0 : i32
      %dma_start3A_249 = tpu.memref_slice %arg12[%dma_start3A_248] : memref<512xi32, #tpu.memory_space<vmem>> -> memref<128xi32, #tpu.memory_space<vmem>>
      %dma_start3A_250 = arith.constant 0 : i32
      %dma_start3A_251 = arith.constant 0 : i32
      %dma_start3A_252 = tpu.memref_slice %arg4[%dma_start3A_250, %dma_start3A_251] : memref<65536x32xf32, #tpu.memory_space<hbm>> -> memref<65536x32xf32, #tpu.memory_space<hbm>>
      tpu.enqueue_indirect_dma source(%dma_start3A_252 : memref<65536x32xf32, #tpu.memory_space<hbm>>) target(%dma_start3A_247 : memref<128x32xf32, #tpu.memory_space<vmem>>) offsets(%dma_start3A_249 : memref<128xi32, #tpu.memory_space<vmem>>) semaphore(%arg15 : memref<!tpu.dma_semaphore, #tpu.memory_space<semaphore_mem>>) {add = true}
      %dma_start3A_253 = arith.constant 128 : i32
      %dma_start3A_254 = arith.constant 0 : i32
      %dma_start3A_255 = tpu.memref_slice %arg13[%dma_start3A_253, %dma_start3A_254] : memref<512x32xf32, #tpu.memory_space<vmem>> -> memref<128x32xf32, #tpu.memory_space<vmem>>
      %dma_start3A_256 = arith.constant 128 : i32
      %dma_start3A_257 = tpu.memref_slice %arg12[%dma_start3A_256] : memref<512xi32, #tpu.memory_space<vmem>> -> memref<128xi32, #tpu.memory_space<vmem>>
      %dma_start3A_258 = arith.constant 0 : i32
      %dma_start3A_259 = arith.constant 0 : i32
      %dma_start3A_260 = tpu.memref_slice %arg4[%dma_start3A_258, %dma_start3A_259] : memref<65536x32xf32, #tpu.memory_space<hbm>> -> memref<65536x32xf32, #tpu.memory_space<hbm>>
      tpu.enqueue_indirect_dma source(%dma_start3A_260 : memref<65536x32xf32, #tpu.memory_space<hbm>>) target(%dma_start3A_255 : memref<128x32xf32, #tpu.memory_space<vmem>>) offsets(%dma_start3A_257 : memref<128xi32, #tpu.memory_space<vmem>>) semaphore(%arg15 : memref<!tpu.dma_semaphore, #tpu.memory_space<semaphore_mem>>) {add = true}
      %dma_start3A_261 = arith.constant 256 : i32
      %dma_start3A_262 = arith.constant 0 : i32
      %dma_start3A_263 = tpu.memref_slice %arg13[%dma_start3A_261, %dma_start3A_262] : memref<512x32xf32, #tpu.memory_space<vmem>> -> memref<128x32xf32, #tpu.memory_space<vmem>>
      %dma_start3A_264 = arith.constant 256 : i32
      %dma_start3A_265 = tpu.memref_slice %arg12[%dma_start3A_264] : memref<512xi32, #tpu.memory_space<vmem>> -> memref<128xi32, #tpu.memory_space<vmem>>
      %dma_start3A_266 = arith.constant 0 : i32
      %dma_start3A_267 = arith.constant 0 : i32
      %dma_start3A_268 = tpu.memref_slice %arg4[%dma_start3A_266, %dma_start3A_267] : memref<65536x32xf32, #tpu.memory_space<hbm>> -> memref<65536x32xf32, #tpu.memory_space<hbm>>
      tpu.enqueue_indirect_dma source(%dma_start3A_268 : memref<65536x32xf32, #tpu.memory_space<hbm>>) target(%dma_start3A_263 : memref<128x32xf32, #tpu.memory_space<vmem>>) offsets(%dma_start3A_265 : memref<128xi32, #tpu.memory_space<vmem>>) semaphore(%arg15 : memref<!tpu.dma_semaphore, #tpu.memory_space<semaphore_mem>>) {add = true}
      %dma_start3A_269 = arith.constant 384 : i32
      %dma_start3A_270 = arith.constant 0 : i32
      %dma_start3A_271 = tpu.memref_slice %arg13[%dma_start3A_269, %dma_start3A_270] : memref<512x32xf32, #tpu.memory_space<vmem>> -> memref<128x32xf32, #tpu.memory_space<vmem>>
      %dma_start3A_272 = arith.constant 384 : i32
      %dma_start3A_273 = tpu.memref_slice %arg12[%dma_start3A_272] : memref<512xi32, #tpu.memory_space<vmem>> -> memref<128xi32, #tpu.memory_space<vmem>>
      %dma_start3A_274 = arith.constant 0 : i32
      %dma_start3A_275 = arith.constant 0 : i32
      %dma_start3A_276 = tpu.memref_slice %arg4[%dma_start3A_274, %dma_start3A_275] : memref<65536x32xf32, #tpu.memory_space<hbm>> -> memref<65536x32xf32, #tpu.memory_space<hbm>>
      tpu.enqueue_indirect_dma source(%dma_start3A_276 : memref<65536x32xf32, #tpu.memory_space<hbm>>) target(%dma_start3A_271 : memref<128x32xf32, #tpu.memory_space<vmem>>) offsets(%dma_start3A_273 : memref<128xi32, #tpu.memory_space<vmem>>) semaphore(%arg15 : memref<!tpu.dma_semaphore, #tpu.memory_space<semaphore_mem>>) {add = true}
      %mul3A_277 = arith.constant 512 : i32
      %mul3A_278 = arith.muli %add3A_62, %mul3A_277 : i32
      %add3A_279 = arith.addi %mul3A_2, %mul3A_278 : i32
      %dma_wait3A_280 = arith.constant 0 : i32
      %dma_wait3A_281 = arith.constant 0 : i32
      %dma_wait3A_282 = tpu.memref_slice %arg13[%dma_wait3A_280, %dma_wait3A_281] : memref<512x32xf32, #tpu.memory_space<vmem>> -> memref<128x32xf32, #tpu.memory_space<vmem>>
      %dma_wait3A_283 = arith.constant 0 : i32
      %dma_wait3A_284 = tpu.memref_slice %arg12[%dma_wait3A_283] : memref<512xi32, #tpu.memory_space<vmem>> -> memref<128xi32, #tpu.memory_space<vmem>>
      %dma_wait3A_285 = arith.constant 0 : i32
      %dma_wait3A_286 = arith.constant 0 : i32
      %dma_wait3A_287 = tpu.memref_slice %arg4[%dma_wait3A_285, %dma_wait3A_286] : memref<65536x32xf32, #tpu.memory_space<hbm>> -> memref<65536x32xf32, #tpu.memory_space<hbm>>
      tpu.wait_indirect_dma semaphore(%arg15 : memref<!tpu.dma_semaphore, #tpu.memory_space<semaphore_mem>>) src(%dma_wait3A_287 : memref<65536x32xf32, #tpu.memory_space<hbm>>) dst(%dma_wait3A_282 : memref<128x32xf32, #tpu.memory_space<vmem>>)
      %dma_wait3A_288 = arith.constant 128 : i32
      %dma_wait3A_289 = arith.constant 0 : i32
      %dma_wait3A_290 = tpu.memref_slice %arg13[%dma_wait3A_288, %dma_wait3A_289] : memref<512x32xf32, #tpu.memory_space<vmem>> -> memref<128x32xf32, #tpu.memory_space<vmem>>
      %dma_wait3A_291 = arith.constant 128 : i32
      %dma_wait3A_292 = tpu.memref_slice %arg12[%dma_wait3A_291] : memref<512xi32, #tpu.memory_space<vmem>> -> memref<128xi32, #tpu.memory_space<vmem>>
      %dma_wait3A_293 = arith.constant 0 : i32
      %dma_wait3A_294 = arith.constant 0 : i32
      %dma_wait3A_295 = tpu.memref_slice %arg4[%dma_wait3A_293, %dma_wait3A_294] : memref<65536x32xf32, #tpu.memory_space<hbm>> -> memref<65536x32xf32, #tpu.memory_space<hbm>>
      tpu.wait_indirect_dma semaphore(%arg15 : memref<!tpu.dma_semaphore, #tpu.memory_space<semaphore_mem>>) src(%dma_wait3A_295 : memref<65536x32xf32, #tpu.memory_space<hbm>>) dst(%dma_wait3A_290 : memref<128x32xf32, #tpu.memory_space<vmem>>)
      %dma_wait3A_296 = arith.constant 256 : i32
      %dma_wait3A_297 = arith.constant 0 : i32
      %dma_wait3A_298 = tpu.memref_slice %arg13[%dma_wait3A_296, %dma_wait3A_297] : memref<512x32xf32, #tpu.memory_space<vmem>> -> memref<128x32xf32, #tpu.memory_space<vmem>>
      %dma_wait3A_299 = arith.constant 256 : i32
      %dma_wait3A_300 = tpu.memref_slice %arg12[%dma_wait3A_299] : memref<512xi32, #tpu.memory_space<vmem>> -> memref<128xi32, #tpu.memory_space<vmem>>
      %dma_wait3A_301 = arith.constant 0 : i32
      %dma_wait3A_302 = arith.constant 0 : i32
      %dma_wait3A_303 = tpu.memref_slice %arg4[%dma_wait3A_301, %dma_wait3A_302] : memref<65536x32xf32, #tpu.memory_space<hbm>> -> memref<65536x32xf32, #tpu.memory_space<hbm>>
      tpu.wait_indirect_dma semaphore(%arg15 : memref<!tpu.dma_semaphore, #tpu.memory_space<semaphore_mem>>) src(%dma_wait3A_303 : memref<65536x32xf32, #tpu.memory_space<hbm>>) dst(%dma_wait3A_298 : memref<128x32xf32, #tpu.memory_space<vmem>>)
      %dma_wait3A_304 = arith.constant 384 : i32
      %dma_wait3A_305 = arith.constant 0 : i32
      %dma_wait3A_306 = tpu.memref_slice %arg13[%dma_wait3A_304, %dma_wait3A_305] : memref<512x32xf32, #tpu.memory_space<vmem>> -> memref<128x32xf32, #tpu.memory_space<vmem>>
      %dma_wait3A_307 = arith.constant 384 : i32
      %dma_wait3A_308 = tpu.memref_slice %arg12[%dma_wait3A_307] : memref<512xi32, #tpu.memory_space<vmem>> -> memref<128xi32, #tpu.memory_space<vmem>>
      %dma_wait3A_309 = arith.constant 0 : i32
      %dma_wait3A_310 = arith.constant 0 : i32
      %dma_wait3A_311 = tpu.memref_slice %arg4[%dma_wait3A_309, %dma_wait3A_310] : memref<65536x32xf32, #tpu.memory_space<hbm>> -> memref<65536x32xf32, #tpu.memory_space<hbm>>
      tpu.wait_indirect_dma semaphore(%arg15 : memref<!tpu.dma_semaphore, #tpu.memory_space<semaphore_mem>>) src(%dma_wait3A_311 : memref<65536x32xf32, #tpu.memory_space<hbm>>) dst(%dma_wait3A_306 : memref<128x32xf32, #tpu.memory_space<vmem>>)
      %dma_start3A_312 = arith.constant 0 : i32
      %dma_start3A_313 = tpu.memref_slice %arg5[%add3A_279, %dma_start3A_312] : memref<425984x32xf32, #tpu.memory_space<hbm>> -> memref<512x32xf32, #tpu.memory_space<hbm>>
      %dma_start3A_314 = arith.constant 0 : i32
      %dma_start3A_315 = tpu.memref_slice %arg5[%add3A_279, %dma_start3A_314] : memref<425984x32xf32, #tpu.memory_space<hbm>> -> memref<512x32xf32, #tpu.memory_space<hbm>>
      tpu.enqueue_dma source(%arg13 : memref<512x32xf32, #tpu.memory_space<vmem>>) target(%dma_start3A_315 : memref<512x32xf32, #tpu.memory_space<hbm>>) target_semaphore(%arg17 : memref<!tpu.dma_semaphore, #tpu.memory_space<semaphore_mem>>)
    }
    %scan3A_46 = arith.constant 13 : i32
    %add3A_47 = arith.constant 12288 : i32
    %add3A_48 = arith.addi %mul3A_2, %add3A_47 : i32
    %add3A_49 = arith.constant 12800 : i32
    %add3A_50 = arith.addi %mul3A_2, %add3A_49 : i32
    %dma_wait3A = arith.constant 0 : i32
    %dma_wait3A_51 = tpu.memref_slice %arg5[%add3A_48, %dma_wait3A] : memref<425984x32xf32, #tpu.memory_space<hbm>> -> memref<512x32xf32, #tpu.memory_space<hbm>>
    %dma_wait3A_52 = arith.constant 0 : i32
    %dma_wait3A_53 = tpu.memref_slice %arg5[%add3A_48, %dma_wait3A_52] : memref<425984x32xf32, #tpu.memory_space<hbm>> -> memref<512x32xf32, #tpu.memory_space<hbm>>
    tpu.wait_dma2 semaphore(%arg16 : memref<!tpu.dma_semaphore, #tpu.memory_space<semaphore_mem>>) src(%arg9 : memref<512x32xf32, #tpu.memory_space<vmem>>) dst(%dma_wait3A_53 : memref<512x32xf32, #tpu.memory_space<hbm>>)
    %dma_wait3A_54 = arith.constant 0 : i32
    %dma_wait3A_55 = tpu.memref_slice %arg5[%add3A_50, %dma_wait3A_54] : memref<425984x32xf32, #tpu.memory_space<hbm>> -> memref<512x32xf32, #tpu.memory_space<hbm>>
    %dma_wait3A_56 = arith.constant 0 : i32
    %dma_wait3A_57 = tpu.memref_slice %arg5[%add3A_50, %dma_wait3A_56] : memref<425984x32xf32, #tpu.memory_space<hbm>> -> memref<512x32xf32, #tpu.memory_space<hbm>>
    tpu.wait_dma2 semaphore(%arg17 : memref<!tpu.dma_semaphore, #tpu.memory_space<semaphore_mem>>) src(%arg13 : memref<512x32xf32, #tpu.memory_space<vmem>>) dst(%dma_wait3A_57 : memref<512x32xf32, #tpu.memory_space<hbm>>)
    return
  }
}

module attributes {stable_mosaic.version = 14 : i64} {
  func.func @_qt_body(%arg0: i32, %arg1: memref<32x8192xf32, #tpu.memory_space<vmem>>, %arg2: memref<128x32xf32, #tpu.memory_space<vmem>>) attributes {dimension_semantics = [#tpu.dimension_semantics<arbitrary>], iteration_bounds = array<i64: 123>, scalar_prefetch = 0 : i64, scratch_operands = 0 : i64, tpu.core_type = #tpu.core_type<tc>, window_params = [{transform_indices = @transform_0, window_bounds = array<i64: 32, 8192>}, {transform_indices = @transform_1, window_bounds = array<i64: 128, 32>}]} {
    %get3A = arith.constant 0 : index
    %get3A_0 = arith.constant 0 : index
    %get3A_1 = vector.load %arg1[%get3A, %get3A_0] : memref<32x8192xf32, #tpu.memory_space<vmem>>, vector<32x8192xf32>
    %iota3A = tpu.iota {dimensions = array<i32: 0>} : vector<8192x128xi32>
    %iota3A_2 = tpu.iota {dimensions = array<i32: 1>} : vector<8192x128xi32>
    %mul3A = arith.constant 64 : i32
    %mul3A_3 = vector.broadcast %mul3A : i32 to vector<8192x128xi32>
    %mul3A_4 = arith.muli %iota3A_2, %mul3A_3 : vector<8192x128xi32>
    %eq3A = arith.cmpi eq, %iota3A, %mul3A_4 : vector<8192x128xi32>
    %jit3A = arith.constant 1.000000e+00 : f32
    %jit3A_5 = arith.constant 0.000000e+00 : f32
    %broadcast_in_dim3A = vector.broadcast %jit3A : f32 to vector<8192x128xf32>
    %broadcast_in_dim3A_6 = vector.broadcast %jit3A_5 : f32 to vector<8192x128xf32>
    %select_n3A = arith.select %eq3A, %broadcast_in_dim3A, %broadcast_in_dim3A_6 : vector<8192x128xi1>, vector<8192x128xf32>
    %dot_general3A = arith.constant dense<0.000000e+00> : vector<32x128xf32>
    %dot_general3A_7 = tpu.matmul %get3A_1, %select_n3A, %dot_general3A {dimension_numbers = #tpu.dot_dimension_numbers<[1], [0], [0], [1], [0, 0, 1, 1], [], []>, transpose_lhs_hint = false} : vector<32x8192xf32>, vector<8192x128xf32>, vector<32x128xf32> -> vector<32x128xf32>
    %iota3A_8 = tpu.iota {dimensions = array<i32: 0>} : vector<32x32xi32>
    %iota3A_9 = tpu.iota {dimensions = array<i32: 1>} : vector<32x32xi32>
    %eq3A_10 = arith.cmpi eq, %iota3A_8, %iota3A_9 : vector<32x32xi32>
    %jit3A_11 = arith.constant 1.000000e+00 : f32
    %jit3A_12 = arith.constant 0.000000e+00 : f32
    %broadcast_in_dim3A_13 = vector.broadcast %jit3A_11 : f32 to vector<32x32xf32>
    %broadcast_in_dim3A_14 = vector.broadcast %jit3A_12 : f32 to vector<32x32xf32>
    %select_n3A_15 = arith.select %eq3A_10, %broadcast_in_dim3A_13, %broadcast_in_dim3A_14 : vector<32x32xi1>, vector<32x32xf32>
    %dot_general3A_16 = arith.constant dense<0.000000e+00> : vector<128x32xf32>
    %dot_general3A_17 = tpu.matmul %dot_general3A_7, %select_n3A_15, %dot_general3A_16 {dimension_numbers = #tpu.dot_dimension_numbers<[0], [0], [1], [1], [0, 1, 1, 1], [], []>, transpose_lhs_hint = false} : vector<32x128xf32>, vector<32x32xf32>, vector<128x32xf32> -> vector<128x32xf32>
    %swap3A = arith.constant 0 : index
    %swap3A_18 = arith.constant 0 : index
    %swap3A_19 = vector.load %arg2[%swap3A, %swap3A_18] : memref<128x32xf32, #tpu.memory_space<vmem>>, vector<128x32xf32>
    tpu.vector_store %arg2[%swap3A, %swap3A_18], %dot_general3A_17 {strides = array<i32>} : memref<128x32xf32, #tpu.memory_space<vmem>>, vector<128x32xf32>,
    return
  }
  func.func @transform_0(%arg0: i32) -> (i32, i32) {
    %c0_i32 = arith.constant 0 : i32
    %c0_i32_0 = arith.constant 0 : i32
    return %c0_i32, %arg0 : i32, i32
  }
  func.func @transform_1(%arg0: i32) -> (i32, i32) {
    %c0_i32 = arith.constant 0 : i32
    %c0_i32_0 = arith.constant 0 : i32
    return %arg0, %c0_i32 : i32, i32
  }
}

module attributes {stable_mosaic.version = 14 : i64} {
  func.func @_rt_body(%arg0: i32, %arg1: memref<32x8192xf32, #tpu.memory_space<vmem>>, %arg2: memref<8192x32xf32, #tpu.memory_space<vmem>>) attributes {dimension_semantics = [#tpu.dimension_semantics<arbitrary>], iteration_bounds = array<i64: 8>, scalar_prefetch = 0 : i64, scratch_operands = 0 : i64, tpu.core_type = #tpu.core_type<tc>, window_params = [{transform_indices = @transform_0, window_bounds = array<i64: 32, 8192>}, {transform_indices = @transform_1, window_bounds = array<i64: 8192, 32>}]} {
    %get3A = arith.constant 0 : index
    %get3A_0 = arith.constant 0 : index
    %get3A_1 = vector.load %arg1[%get3A, %get3A_0] : memref<32x8192xf32, #tpu.memory_space<vmem>>, vector<32x8192xf32>
    %iota3A = tpu.iota {dimensions = array<i32: 0>} : vector<32x32xi32>
    %iota3A_2 = tpu.iota {dimensions = array<i32: 1>} : vector<32x32xi32>
    %eq3A = arith.cmpi eq, %iota3A, %iota3A_2 : vector<32x32xi32>
    %jit3A = arith.constant 1.000000e+00 : f32
    %jit3A_3 = arith.constant 0.000000e+00 : f32
    %broadcast_in_dim3A = vector.broadcast %jit3A : f32 to vector<32x32xf32>
    %broadcast_in_dim3A_4 = vector.broadcast %jit3A_3 : f32 to vector<32x32xf32>
    %select_n3A = arith.select %eq3A, %broadcast_in_dim3A, %broadcast_in_dim3A_4 : vector<32x32xi1>, vector<32x32xf32>
    %dot_general3A = arith.constant dense<0.000000e+00> : vector<8192x32xf32>
    %dot_general3A_5 = tpu.matmul %get3A_1, %select_n3A, %dot_general3A {dimension_numbers = #tpu.dot_dimension_numbers<[0], [0], [1], [1], [0, 1, 1, 1], [], []>, transpose_lhs_hint = false} : vector<32x8192xf32>, vector<32x32xf32>, vector<8192x32xf32> -> vector<8192x32xf32>
    %swap3A = arith.constant 0 : index
    %swap3A_6 = arith.constant 0 : index
    %swap3A_7 = vector.load %arg2[%swap3A, %swap3A_6] : memref<8192x32xf32, #tpu.memory_space<vmem>>, vector<8192x32xf32>
    tpu.vector_store %arg2[%swap3A, %swap3A_6], %dot_general3A_5 {strides = array<i32>} : memref<8192x32xf32, #tpu.memory_space<vmem>>, vector<8192x32xf32>,
    return
  }
  func.func @transform_0(%arg0: i32) -> (i32, i32) {
    %c0_i32 = arith.constant 0 : i32
    %c0_i32_0 = arith.constant 0 : i32
    return %c0_i32, %arg0 : i32, i32
  }
  func.func @transform_1(%arg0: i32) -> (i32, i32) {
    %c0_i32 = arith.constant 0 : i32
    %c0_i32_0 = arith.constant 0 : i32
    return %arg0, %c0_i32 : i32, i32
  }
}

</mosaic_0001>

<sc_bundles>
// kernel: kernel.5.cloned.1.call-start
scs
__scs_entry_jumppad:
0x0: {  	(pc) =	sbr.rel $0x88, $3  }
0x1: {  	(tag) =	ssettag $0x0;
	lr =	simm.s32 $0x1  }
0x2: {  	[smem:$0x3F9F] =	sst lr;
	_ =	strace $0xD0000000  }
0x3: {  	_ = 	snop  }
0x4: {  	_ = 	snop  }
0x5: {  	_ = 	snop  }
0x6: {  	_ = 	snop  }
0x7: {  	_ = 	snop  }
__scs_overlays_trampoline_lowered:
0x8: {  	[smem:$0x3FAE] =	sst s0  }
0x9: {  	[smem:$0x3FAF] =	sst s1  }
0xa: {  	[smem:$0x3FB0] =	sst s2  }
0xb: {  	[smem:$0x3FB1] =	sst s3  }
0xc: {  	[smem:$0x3FB2] =	sst s4  }
0xd: {  	[smem:$0x3FB3] =	sst s5  }
0xe: {  	[smem:$0x3FB4] =	sst s6  }
0xf: {  	[smem:$0x3FB5] =	sst s7  }
0x10: {  	[smem:$0x3FB6] =	sst s8  }
0x11: {  	[smem:$0x3FB7] =	sst s9;
	s0 =	simm.s32 @!p0 $0x0  }
0x12: {  	s1 =	sld [smem:$0x3F9D];
	s0 =	simm.s32 @p0 $0x1  }
0x13: {  	[smem:$0x3FB8] =	sst s0;
	s0 =	simm.s32 @!p1 $0x0  }
0x14: {  	s2 =	sld [smem:$0x3F9C];
	s0 =	simm.s32 @p1 $0x1  }
0x15: {  	[smem:$0x3FB9] =	sst s0;
	s0 =	simm.s32 @!p2 $0x0  }
0x16: {  	s3 =	sld [smem:$0x3FDB];
	s0 =	simm.s32 @p2 $0x1  }
0x17: {  	s4 =	simm.s32 $0x1BF5;
	[smem:$0x3FBB] =	sst s0  }
0x18: {  	s0 =	sld [smem:$0x3F9E];
	_ =	swait.ge [sflag:s4], $0x0  }
0x19: {  	s7 =	sld [smem:$0x3F9F]  }
0x1a: {  	s8 =	sadd.s32 $0xFFFFE003, lr  }
0x1b: {  	s9 =	sadd.s32 $0xFFFFFEF7, lr;
	s5 =	simm.s32 $0xFFFFFFFF;
	p2 =	slt.u32 s8, $0xFFFFF086  }
0x1c: {  	p1 =	slt.u32 s9, $0xF7A;
	s5 =	simm.s32 @!p2 $0x0  }
0x1d: {  	s5 =	simm.s32 @p1 $0x1;
	p0 =	seq.s32 s7, s2  }
0x1e: {  	s7 =	smul.u32 @!p0 $0xF7A, s2;
	p2 =	seq.s32 @!p0 s5, $0x0  }
0x1f: {  	s9 =	smul.u32 $0xF7A, s1;
	s8 =	simm.s32 @!p0 $0x1BF5;
	p2 =	por !p2, p0  }
0x20: {  	[sflag:s8] =	ssyncset.s32 @!p0 $0xFFFFF086;
	s6 =	sadd.s32 @!p0 s3, s7;
	s7 =	simm.s32 @!p0 $0x108  }
0x21: {  	s3 =	sadd.s32 s3, s9;
	s6 =	sadd.s32 @!p0 $0x88, s6;
	s7 =	simm.s32 @p2 $0x1082  }
0x22: {  	[simem:s7], [sflag:s8] =	dma.local @!p0 [hbm:s6], $0xF7A  }
0x23: {  	s9 =	sor.u32 $0xD0000000, s2;
	s6 =	simm.s32 $0x108;
	_ =	swait.ge @!p0 [sflag:s8], $0x0  }
0x24: {  	s3 =	sadd.s32 $0x88, s3;
	s6 =	simm.s32 @!p1 $0x1082;
	[sflag:s4] =	ssyncset.s32 $0xFFFFF086  }
0x25: {  	[simem:s6], [sflag:s4] =	dma.local [hbm:s3], $0xF7A  }
0x26: {  	[smem:$0x3F9F] =	sst s1;
	(tag) =	ssettag s2;
	_ =	strace s9  }
0x27: {  	s1 =	sld [smem:$0x3FAF]  }
0x28: {  	s2 =	sld [smem:$0x3FB0]  }
0x29: {  	s4 =	sld [smem:$0x3FB2]  }
0x2a: {  	p0 =	seq.s32 s5, $0x0;
	s5 =	sld [smem:$0x3FB3]  }
0x2b: {  	s6 =	sld [smem:$0x3FB4]  }
0x2c: {  	s7 =	sld [smem:$0x3FB5]  }
0x2d: {  	s3 =	simm.s32 $0x108;
	s8 =	sld [smem:$0x3FB6]  }
0x2e: {  	s3 =	simm.s32 @!p0 $0x1082;
	s9 =	sld [smem:$0x3FB7]  }
0x2f: {  	lr =	sadd.s32 s0, s3;
	s0 =	sld [smem:$0x3FAE]  }
0x30: {  	s3 =	sld [smem:$0x3FB1]  }
0x31: {  	[smem:$0x3FBA] =	sst s10  }
0x32: {  	s10 =	sld [smem:$0x3FB8];
	_ =	sdelay $0x3  }
0x33: {  	p0 =	seq.s32 s10, $0x1;
	s10 =	sld [smem:$0x3FBA];
	_ =	sdelay $0x3  }
0x34: {  	[smem:$0x3FBA] =	sst s10  }
0x35: {  	s10 =	sld [smem:$0x3FB9];
	_ =	sdelay $0x3  }
0x36: {  	p1 =	seq.s32 s10, $0x1;
	s10 =	sld [smem:$0x3FBA];
	_ =	sdelay $0x3  }
0x37: {  	[smem:$0x3FBA] =	sst s10  }
0x38: {  	s10 =	sld [smem:$0x3FBB]  }
0x39: {  	_ = 	snop;
	(pc) =	sbr.ind lr, $3  }
0x3a: {  	_ = 	snop  }
0x3b: {  	_ = 	snop  }
0x3c: {  	p2 =	seq.s32 s10, $0x1;
	s10 =	sld [smem:$0x3FBA]  }
0x3d: {  	_ =	shalt  }
0x3e: {  	_ =	shalt  }
0x3f: {  	_ =	shalt  }
0x40: {  	_ =	shalt  }
0x41: {  	_ =	shalt  }
0x42: {  	_ =	shalt  }
0x43: {  	_ =	shalt  }
0x44: {  	_ =	shalt  }
0x45: {  	_ =	shalt  }
0x46: {  	_ =	shalt  }
0x47: {  	_ =	shalt  }
0x48: {  	_ =	shalt  }
0x49: {  	_ =	shalt  }
0x4a: {  	_ =	shalt  }
0x4b: {  	_ =	shalt  }
0x4c: {  	_ =	shalt  }
0x4d: {  	_ =	shalt  }
0x4e: {  	_ =	shalt  }
0x4f: {  	_ =	shalt  }
0x50: {  	_ =	shalt  }
0x51: {  	_ =	shalt  }
0x52: {  	_ =	shalt  }
0x53: {  	_ =	shalt  }
0x54: {  	_ =	shalt  }
0x55: {  	_ =	shalt  }
0x56: {  	_ =	shalt  }
0x57: {  	_ =	shalt  }
0x58: {  	_ =	shalt  }
0x59: {  	_ =	shalt  }
0x5a: {  	_ =	shalt  }
0x5b: {  	_ =	shalt  }
0x5c: {  	_ =	shalt  }
0x5d: {  	_ =	shalt  }
0x5e: {  	_ =	shalt  }
0x5f: {  	_ =	shalt  }
0x60: {  	_ =	shalt  }
0x61: {  	_ =	shalt  }
0x62: {  	_ =	shalt  }
0x63: {  	_ =	shalt  }
0x64: {  	_ =	shalt  }
0x65: {  	_ =	shalt  }
0x66: {  	_ =	shalt  }
0x67: {  	_ =	shalt  }
0x68: {  	_ =	shalt  }
0x69: {  	_ =	shalt  }
0x6a: {  	_ =	shalt  }
0x6b: {  	_ =	shalt  }
0x6c: {  	_ =	shalt  }
0x6d: {  	_ =	shalt  }
0x6e: {  	_ =	shalt  }
0x6f: {  	_ =	shalt  }
0x70: {  	_ =	shalt  }
0x71: {  	_ =	shalt  }
0x72: {  	_ =	shalt  }
0x73: {  	_ =	shalt  }
0x74: {  	_ =	shalt  }
0x75: {  	_ =	shalt  }
0x76: {  	_ =	shalt  }
0x77: {  	_ =	shalt  }
0x78: {  	_ =	shalt  }
0x79: {  	_ =	shalt  }
0x7a: {  	_ =	shalt  }
0x7b: {  	_ =	shalt  }
0x7c: {  	_ =	shalt  }
0x7d: {  	_ =	shalt  }
0x7e: {  	_ =	shalt  }
0x7f: {  	_ =	shalt  }
0x80: {  	_ =	shalt  }
0x81: {  	_ =	shalt  }
0x82: {  	_ =	shalt  }
0x83: {  	_ =	shalt  }
0x84: {  	_ =	shalt  }
0x85: {  	_ =	shalt  }
0x86: {  	_ =	shalt  }
0x87: {  	_ =	shalt  }
.Lfunc_end0:
.L_simem_size_0:
called_computation.1_lowered:
.L_overlay_start_0:
0x88: {  	s2 =	sld [smem:$0x3FD9]  }
0x89: {  	s3 =	sld [smem:$0x3FFE];
	_ =	sdelay $0x1  }
0x8a: {  	s1 =	srdreg.scid  }
0x8b: {  	s0 =	sand.u32 $0x1, s1  }
0x8c: {  	s17 =	sshll.u32 s0, $0xA;
	s2 =	sadd.s32 s3, s2  }
0x8d: {  	s2 =	sadd.s32 s2, s17  }
0x8e: {  	[smem:$0x3FC6] =	sst s2  }
0x8f: {  	_ = 	snop  }
0x90: {  	s2 =	sld [smem:$0x3FD0];
	(tm) =	ssettm $0x1  }
0x91: {  	s18 =	sld [smem:$0x3FFB];
	_ =	sdelay $0x3  }
0x92: {  	_ =	strace s18  }
0x93: {  	s3 =	sld [smem:$0x3FFC];
	_ =	sdelay $0x3  }
0x94: {  	_ =	strace s3  }
0x95: {  	s3 =	sld [smem:$0x3FFD];
	_ =	sdelay $0x3  }
0x96: {  	_ =	strace s3  }
0x97: {  	_ =	strace $0x8FFFFFFF  }
0x98: {  	s19 =	sld [smem:$0x3FDB];
	_ =	sdelay $0x1  }
0x99: {  	s4 =	simm.s32 $_scs_section_size  }
0x9a: {  	s5 =	simm.s32 $_size__tile_overlayer_lowered;
	s6 =	simm.s32 $_tile_overlayer_lowered  }
0x9b: {  	s22 =	simm.s32 $0x1BFF;
	s21 =	sshll.u32 s6, $0x1;
	s3 =	sadd.s32 s4, s19  }
0x9c: {  	s7 =	simm.s32 $0x0;
	s20 =	sshll.u32 s5, $0x1;
	s5 =	sadd.s32 s21, s3  }
0x9d: {  	[timem:s7], [sflag:s22] =	dma.local [hbm:s5], s20  }
0x9e: {  	_ =	swait.ge [sflag:s22], s20  }
0x9f: {  	s4 =	ssub.s32 $0x0, s20;
	[sflag:s22] =	ssyncset.done $0x0  }
0xa0: {  	[sflag:s22] =	ssyncadd.s32 s4;
	_ =	sdelay $0x1  }
0xa1: {  	s23 =	simm.s32 $0x1B8B  }
0xa2: {  	_ =	swait.ge [sflag:s23], $0x1  }
0xa3: {  	[sflag:s23] =	ssyncset.done $0x0  }
0xa4: {  	s25 =	simm.s32 $0x1B8E;
	s24 =	sld [smem:$0x3FFE];
	[sflag:s23] =	ssyncadd.s32 $0xFFFFFFFF  }
0xa5: {  	s26 =	simm.s32 $execute0_lowered;
	[smem:$0x3FD2] =	sst s25  }
0xa6: {  	s5 =	sshll.u32 s26, $0x1;
	_ =	strace $0x80000046;
	[dreg:$0x1] =	wrdreg $0xFFFFFFFF  }
0xa7: {  	s28 =	simm.s32 $_size_execute0_lowered;
	s3 =	sadd.s32 s3, s5;
	[dreg:$0x0] =	wrdreg $0x0  }
0xa8: {  	s5 =	sshll.u32 s28, $0x1;
	[dreg:$0x2] =	wrdreg s3  }
0xa9: {  	[dreg:$0x3] =	wrdreg s5  }
0xaa: {  	[dreg:$0x4] =	wrdreg $0xC0  }
0xab: {  	_ =	task [dreg:s7], $0x5FFFF  }
0xac: {  	[dreg:$0x1] =	wrdreg $0xFFFFFFFF  }
0xad: {  	[dreg:$0x0] =	wrdreg $0x60  }
0xae: {  	[dreg:$0x2] =	wrdreg s24  }
0xaf: {  	[dreg:$0x3] =	wrdreg s2  }
0xb0: {  	[dreg:$0x4] =	wrdreg $0x9  }
0xb1: {  	_ =	task.clear_ibuf [dreg:s7], $0x5FFFF;
	_ =	strace $0x90000046  }
0xb2: {  	s29 =	simm.s32 $0x9;
	_ =	strace $0x80000048  }
0xb3: {  	_ =	swait.ge [sflag:s29], $0x1  }
0xb4: {  	[sflag:s29] =	ssyncadd.s32 $0xFFFFFFFF  }
0xb5: {  	_ =	strace $0x90000048  }
0xb6: {  	_ =	sfence  }
0xb7: {  	s30 =	sld [smem:$0x0];
	_ =	sdelay $0x2  }
0xb8: {  	s31 =	sshll.u32 s1, $0xD;
	s1 =	sshrl.u32 s1, $0x2  }
0xb9: {  	s3 =	sand.u32 $0x4000, s31;
	s1 =	sadd.s32 s1, s30  }
0xba: {  	s0 =	sor.u32 s3, s0;
	s1 =	sshll.u32 s1, $0x11  }
0xbb: {  	s0 =	sor.u32 s1, s0  }
0xbc: {  	s0 =	sadd.s32 $0x8F2B, s0  }
0xbd: {  	[sflag:s0] =	ssyncadd.remote.s32 $0x1  }
0xbe: {  	_ =	sfence.sel $0xFFFF  }
0xbf: {  	[dreg:$0x0] =	wrdreg $0xFFFFFFFF;
	(pc) =	sbr.abs _section_cstart, $3  }
0xc0: {  	[dreg:$0x1] =	wrdreg $0xFFFFFFFF  }
0xc1: {  	_ =	task.clear_ibuf [dreg:s7], $0x2FFFF;
	_ =	strace $0x9FFFFFFF  }
0xc2: {  	(tm) =	ssettm $0x7FFFFFFF  }
0xc3: {  	_ =	shalt  }
tec
execute0_lowered:
.L_overlay_start_1:
0x0: {  	(tag) =	ssettag $0x1  }
0x1: {  	s0 =	rddreg [dreg:$0x0]  }
0x2: {  	s1 =	srdreg.scid;
	s2 =	stileid.u32;
	s3 =	simm.s32 $0x0  }
0x3: {  	s1 =	sand.u32 $0x1, s1;
	s2 =	sshll.u32 s2, $0x1;
	[smem:$0x7FF] =	sst s3  }
0x4: {  	s5 =	sadd.s32 $0x10000, s0;
	s25 =	sadd.s32 $0xA00, s0;
	s0 =	sadd.s32 $0x1D000, s0  }
0x5: {  	s2 =	sor.u32 s1, s2;
	_ =	strace $0x80000047;
	[dreg:$0x5] =	wrdreg s25  }
0x6: {  	[dreg:$0x6] =	wrdreg s0;
	s30 =	smul.u32 $0x68000, s2  }
0x7: {  	s1 =	ssub.s32 $0x2, s1;
	[dreg:$0x4] =	wrdreg s5;
	s4 =	smul.u32 $0x3400, s2  }
.Ltmp0:
0x8: {  	v0 =	vimm.s32 $0xECA86420;
	s26 =	sshrl.u32 s1, $0x1;
	[dreg:$0x8] =	wrdreg s30;
	(pc) =	sbr.rel .LBB2_1-.Ltmp0, $4  }
0x9: {  	vm0 =	vcmask $0xB08;
	vm1 =	vcmask $0x1310;
	vm2 =	vcmask $0x1B18;
	s28 =	ssub.s32 s1, s26;
	[dreg:$0x3] =	wrdreg s4;
	s31 =	sadd.s32 $0x400, s4  }
0xa: {  	v1 =	vlaneseq.u32;
	vm8 =	vmmov $0xff;
	v0 =	vunpack.c.l.s4.s8 v0;
	s29 =	sshrl.u32 s4, $0x3;
	s0 =	smax.u32 s28, $0x1;
	[dreg:$0x9] =	wrdreg s31  }
0xb: {  	vm3 =	vcmask $0x704;
	vm11 =	vcmask $0xF0C;
	vm12 =	vcmask $0x1714;
	s1 =	sadd.s32 s5, s29;
	[dreg:$0xa] =	wrdreg s0  }
0xc: {  	s16 =	simm.s32 $0x80;
	vm4 =	vcmask $0x300;
	v1 =	vmul.u32 $0x2, v1;
	v0 =	vunpack.c.0.s8.s32 v0;
	s2 =	simm.s32 $0x0;
	[dreg:$0x7] =	wrdreg s1  }
.LBB2_11:
0xd: {  	s0 =	simm.s32 $0x3  }
0xe: {  	_ =	swait.ge [sflag:s0], $0x4000  }
0xf: {  	[sflag:s0] =	ssyncset.done $0x0  }
0x10: {  	s1 =	simm.s32 $0x4;
	[sflag:s0] =	ssyncadd.s32 $0xFFFFC000  }
0x11: {  	_ =	swait.ge [sflag:s1], $0x4000  }
0x12: {  	s2 =	rddreg [dreg:$0xb]  }
0x13: {  	s31 =	rddreg [dreg:$0xa];
	s2 =	sadd.s32 $0x1, s2  }
0x14: {  	p0 =	sne.s32 s2, s31  }
.Ltmp1:
0x15: {  	_ = 	snop;
	(pc) =	sbr.rel @!p0 .LBB2_12-.Ltmp1, $3  }
0x16: {  	_ =	sdelay $0x1  }
0x17: {  	[sflag:s1] =	ssyncset.done $0x0  }
0x18: {  	vm11 =	vcmask $0xF0C;
	vm12 =	vcmask $0x1714;
	[sflag:s1] =	ssyncadd.s32 $0xFFFFC000  }
.LBB2_1:
0x19: {  	[dreg:$0xb] =	wrdreg s2  }
0x1a: {  	s0 =	simm.s32 $0x0;
	s1 =	rddreg [dreg:$0x7];
	s26 =	simm.s32 $0x5  }
0x1b: {  	[tilespmem:s0], [sflag:$0x5] =	stream.linear.gather [hbm4b:s1+s0], $0x200, $0x38;
	[tilespmem:$0x8C00] =	vst v63  }
0x1c: {  	_ =	swait.ge [sflag:s26], $0x200  }
0x1d: {  	[sflag:s26] =	ssyncset.done $0x0  }
0x1e: {  	s1 =	simm.s32 $0x0;
	[sflag:s26] =	ssyncadd.s32 $0xFFFFFE00  }
0x1f: {  	v3 =	vld [tilespmem:s1+$0x0];
	_ =	sdelay $0x4  }
0x20: {  	v2 =	vshra.s32 v3, $0x6  }
0x21: {  	v2 =	vand.u32 $0xFFFFFC00, v2  }
0x22: {  	(v2sf) =	vpush v2, $0x0  }
0x23: {  	(v2sf) =	vpush v2, $0x7;
	_ =	sdelay $0x2  }
0x24: {  	(v2sf) =	vpush v2, $0x1  }
0x25: {  	(v2sf) =	vpush v2, $0x2;
	_ =	sdelay $0x1  }
0x26: {  	(v2sf) =	vpush v2, $0x3  }
0x27: {  	(v2sf) =	vpush v2, $0x4;
	_ =	sdelay $0x1  }
0x28: {  	(v2sf) =	vpush v2, $0xC  }
0x29: {  	(v2sf) =	vpush v2, $0x8;
	_ =	sdelay $0x3  }
0x2a: {  	(v2sf) =	vpush v2, $0xE;
	s3 =	spop (v2sf)  }
0x2b: {  	s6 =	smulhi.u32 $0x431BDE83, s3;
	s4 =	spop (v2sf)  }
0x2c: {  	(v2sf) =	vpush v2, $0x9;
	s3 =	sshra.s32 s3, $0x1F;
	s8 =	sshra.s32 s4, $0x1F;
	s4 =	smulhi.u32 $0x431BDE83, s4  }
0x2d: {  	(v2sf) =	vpush v2, $0xA;
	s3 =	smul.u32 $0x431BDE83, s3  }
0x2e: {  	s5 =	spop (v2sf);
	s8 =	smul.u32 $0x431BDE83, s8  }
0x2f: {  	s9 =	sshra.s32 s5, $0x1F;
	s10 =	spop (v2sf);
	s5 =	smulhi.u32 $0x431BDE83, s5  }
0x30: {  	s20 =	simm.s32 $0x80;
	s11 =	sshra.s32 s10, $0x1F;
	s10 =	smulhi.u32 $0x431BDE83, s10  }
0x31: {  	s12 =	spop (v2sf);
	s9 =	smul.u32 $0x431BDE83, s9;
	s3 =	sadd.s32 s3, s6  }
0x32: {  	s15 =	sshra.s32 s12, $0x1F;
	s17 =	spop (v2sf);
	s29 =	smul.u32 $0x431BDE83, s11  }
0x33: {  	(v2sf) =	vpush v2, $0xD;
	s8 =	sadd.s32 s8, s4;
	s18 =	smulhi.u32 $0x431BDE83, s12;
	s14 =	sshra.s32 s17, $0x1F  }
0x34: {  	s23 =	sshra.s32 s8, $0x1F;
	s31 =	spop (v2sf);
	s4 =	smul.u32 $0x431BDE83, s15  }
0x35: {  	(v2sf) =	vpush v2, $0xF;
	s5 =	sadd.s32 s9, s5;
	s17 =	smulhi.u32 $0x431BDE83, s17;
	s2 =	spop (v2sf)  }
0x36: {  	(v2sf) =	vpush v2, $0x6;
	s21 =	sshra.s32 s31, $0x1F;
	s26 =	smul.u32 $0x431BDE83, s14;
	s25 =	sadd.s32 s29, s10  }
0x37: {  	v3 =	vand.u32 $0xFFFF, v3;
	s14 =	sshrl.u32 s5, $0x1F;
	s11 =	smulhi.u32 $0x431BDE83, s31;
	s19 =	sshra.s32 s5, $0x1F  }
0x38: {  	[tilespmem:s1+$0x400] =	vst v3;
	v3 =	vmov s23;
	s23 =	sshra.s32 s3, $0x1F;
	s5 =	sshra.s32 s5, $0xC;
	s22 =	smulhi.u32 $0x431BDE83, s2  }
0x39: {  	(v2sf) =	vpush v2, $0xB;
	s7 =	spop (v2sf);
	s12 =	sshra.s32 s2, $0x1F;
	s13 =	smul.u32 $0x431BDE83, s21  }
0x3a: {  	s0 =	sshra.s32 s25, $0x1F;
	s24 =	sshra.s32 s7, $0x1F;
	s9 =	smulhi.u32 $0x431BDE83, s7  }
0x3b: {  	s21 =	spop (v2sf);
	s7 =	sshra.s32 s25, $0xC;
	s31 =	smul.u32 $0x431BDE83, s12  }
0x3c: {  	s24 =	smul.u32 $0x431BDE83, s24;
	s28 =	spop (v2sf);
	s29 =	sshra.s32 s21, $0x1F  }
0x3d: {  	s10 =	sadd.s32 s13, s11;
	s11 =	simm.s32 $0x10;
	s21 =	smulhi.u32 $0x431BDE83, s21  }
0x3e: {  	(v2sf) =	vpush v2, $0x5;
	s17 =	sadd.s32 s26, s17;
	s30 =	sshra.s32 s28, $0x1F;
	v6 =	vld [tilespmem:s11+$0x0];
	s15 =	smulhi.u32 $0x431BDE83, s28  }
0x3f: {  	s13 =	sshrl.u32 s10, $0x1F;
	s29 =	smul.u32 $0x431BDE83, s29;
	s12 =	sadd.s32 s24, s9  }
0x40: {  	vm13 =	vcmask $0x1F1C;
	vm14 =	vcmask $0x2724;
	vm15 =	vcmask $0x2F2C;
	s24 =	sadd.s32 s31, s22;
	s31 =	sshra.s32 s10, $0xC;
	s10 =	sadd.s32 s4, s18  }
0x41: {  	vm5 =	vcmask $0x2320;
	vm6 =	vcmask $0x2B28;
	s18 =	sshrl.u32 s25, $0x1F;
	v5 =	vmov s13;
	s6 =	smul.u32 $0x431BDE83, s30;
	s13 =	sshra.s32 s3, $0xC  }
0x42: {  	vm7 =	vcmask $0x3330;
	vm10 =	vcmask $0x3B38;
	s3 =	sshrl.u32 s3, $0x1F;
	s28 =	sshra.s32 s24, $0xC;
	v4 =	vmov s31;
	s2 =	spop (v2sf)  }
0x43: {  	s22 =	sshrl.u32 s12, $0x1F;
	v3 =	vsel vm4, s13, v3;
	v7 =	vmov s28;
	s9 =	sshra.s32 s2, $0x1F;
	s25 =	smulhi.u32 $0x431BDE83, s2;
	v8 =	vshra.s32 v6, $0x6  }
0x44: {  	v9 =	vsel vm3, s23, v3;
	s23 =	sshra.s32 s12, $0xC;
	vm3 =	vcmask $0x3734;
	s9 =	smul.u32 $0x431BDE83, s9;
	s26 =	spop (v2sf);
	v3 =	vand.u32 $0xFFFFFC00, v8  }
0x45: {  	v9 =	vsel vm0, s5, v9;
	s2 =	sadd.s32 s29, s21;
	s21 =	sshrl.u32 s24, $0x1F;
	v8 =	vmov s3;
	s3 =	spop (v2sf);
	(v2sf) =	vpush v3, $0x0  }
0x46: {  	v10 =	vand.u32 $0xFFFF, v6;
	v6 =	vsel vm11, s19, v9;
	s29 =	sshra.s32 s2, $0xC;
	s28 =	sadd.s32 s9, s25;
	(v2sf) =	vpush v3, $0x7;
	s25 =	smulhi.u32 $0x431BDE83, s3  }
0x47: {  	v9 =	vsel vm1, s7, v6;
	s31 =	sshra.s32 s26, $0x1F;
	v6 =	vsel vm0, s29, v7;
	s9 =	sadd.s32 s6, s15;
	s15 =	smulhi.u32 $0x431BDE83, s26;
	(v2sf) =	vpush v3, $0x1  }
0x48: {  	[tilespmem:s11+$0x400] =	vst v10;
	v7 =	vnsel vm4, $0x0, v8;
	v8 =	vsel vm12, s0, v9;
	s5 =	smul.u32 $0x431BDE83, s31;
	s30 =	sshrl.u32 s28, $0x1F;
	s24 =	spop (v2sf);
	(v2sf) =	vpush v3, $0x2  }
.LBB2_2:
0x49: {  	s4 =	sshrl.u32 s2, $0x1F  }
0x4a: {  	s12 =	sshra.s32 s24, $0x1F;
	s26 =	sshra.s32 s28, $0xC;
	s19 =	smov.u32 s20  }
0x4b: {  	s2 =	smov.u32 s1;
	s1 =	smov.u32 s11;
	s3 =	sshra.s32 s3, $0x1F  }
0x4c: {  	(v2sf) =	vpush v3, $0x3;
	v5 =	vsel vm0, s30, v5;
	v9 =	vmov s21;
	s21 =	sshrl.u32 s9, $0x1F;
	s9 =	sshra.s32 s9, $0xC;
	s11 =	smul.u32 $0x431BDE83, s12  }
0x4d: {  	v7 =	vsel vm0, s14, v7;
	(v2sf) =	vpush v3, $0x4;
	s5 =	sadd.s32 s5, s15;
	s12 =	spop (v2sf);
	v5 =	vsel vm1, s22, v5;
	s22 =	smulhi.u32 $0x431BDE83, s24  }
0x4e: {  	v9 =	vsel vm0, s4, v9;
	v4 =	vsel vm0, s26, v4;
	v7 =	vsel vm1, s18, v7;
	s15 =	sshrl.u32 s5, $0x1F;
	s4 =	smulhi.u32 $0x431BDE83, s12;
	s5 =	sshra.s32 s5, $0xC  }
0x4f: {  	s3 =	smul.u32 $0x431BDE83, s3;
	v6 =	vsel vm1, s9, v6;
	s12 =	sshra.s32 s12, $0x1F;
	(v2sf) =	vpush v3, $0xC;
	v5 =	vsel vm2, s15, v5;
	s15 =	sshra.s32 s10, $0xC  }
0x50: {  	s14 =	sshra.s32 s17, $0xC;
	v4 =	vsel vm1, s23, v4;
	s12 =	smul.u32 $0x431BDE83, s12;
	(v2sf) =	vpush v3, $0x8;
	v8 =	vsel vm2, s15, v8;
	s15 =	sshra.s32 s10, $0x1F  }
0x51: {  	s9 =	sshrl.u32 s17, $0x1F;
	v9 =	vsel vm1, s21, v9;
	s11 =	sadd.s32 s11, s22;
	v4 =	vsel vm2, s5, v4;
	s10 =	sshrl.u32 s10, $0x1F;
	v8 =	vsel vm13, s15, v8  }
0x52: {  	s5 =	sshra.s32 s11, $0xC;
	s4 =	sadd.s32 s12, s4;
	v7 =	vsel vm2, s10, v7;
	(v2sf) =	vpush v3, $0xE;
	v8 =	vsel vm5, s14, v8;
	s14 =	sshra.s32 s17, $0x1F  }
0x53: {  	s11 =	sshrl.u32 s11, $0x1F;
	v6 =	vsel vm2, s5, v6;
	s5 =	sshra.s32 s4, $0xC;
	v7 =	vsel vm5, s9, v7;
	v8 =	vsel vm14, s14, v8  }
0x54: {  	s12 =	sadd.s32 s3, s25;
	s10 =	sshrl.u32 s4, $0x1F;
	v4 =	vcombine.low v6, v4;
	s4 =	sshra.s32 s4, $0x1F;
	v6 =	vsel vm2, s11, v9;
	v8 =	vsel vm6, s5, v8  }
0x55: {  	s11 =	sshrl.u32 s12, $0x1F;
	v5 =	vcombine.low v6, v5;
	(v2sf) =	vpush v3, $0x9;
	v6 =	vsel vm15, s4, v8;
	s4 =	sshra.s32 s12, $0xC  }
0x56: {  	s5 =	sshra.s32 s8, $0xC;
	(v2sf) =	vpush v3, $0xA;
	s9 =	spop (v2sf);
	v6 =	vsel vm7, s4, v6;
	s4 =	sshra.s32 s12, $0x1F  }
0x57: {  	s3 =	smulhi.u32 $0x431BDE83, s9;
	(v2sf) =	vpush v3, $0xD;
	s14 =	spop (v2sf);
	s9 =	sshra.s32 s9, $0x1F  }
0x58: {  	s15 =	spop (v2sf);
	s12 =	sshra.s32 s14, $0x1F;
	s14 =	smulhi.u32 $0x431BDE83, s14  }
0x59: {  	v6 =	vsel vm3, s4, v6;
	s9 =	smul.u32 $0x431BDE83, s9;
	s17 =	sshra.s32 s15, $0x1F;
	s18 =	spop (v2sf)  }
0x5a: {  	v7 =	vsel vm6, s10, v7;
	s4 =	sadd.s32 $0x40, s20;
	v6 =	vsel vm10, s5, v6;
	s5 =	smul.u32 $0x431BDE83, s12;
	s21 =	sshra.s32 s18, $0x1F  }
0x5b: {  	v7 =	vsel vm7, s11, v7;
	s8 =	sshrl.u32 s8, $0x1F;
	v6 =	vperm.xlane v6, v1;
	s11 =	smulhi.u32 $0x431BDE83, s15;
	s22 =	spop (v2sf)  }
0x5c: {  	v4 =	vperm.xlane v4, v0;
	v7 =	vsel vm10, s8, v7;
	s18 =	smulhi.u32 $0x431BDE83, s18;
	s12 =	sshra.s32 s22, $0x1F;
	s10 =	spop (v2sf)  }
0x5d: {  	v5 =	vperm.xlane v5, v0;
	v7 =	vperm.xlane v7, v1;
	s8 =	sadd.s32 s5, s14;
	s5 =	smul.u32 $0x431BDE83, s17;
	s23 =	sshra.s32 s10, $0x1F  }
0x5e: {  	s14 =	smul.u32 $0x431BDE83, s21;
	s15 =	sshra.s32 s8, $0x1F;
	s24 =	spop (v2sf);
	(v2sf) =	vpush v3, $0xF  }
0x5f: {  	p0 =	sne.s32 s20, $0x7C0;
	v5 =	vsel vm8, v7, v5;
	v4 =	vsel vm8, v6, v4;
	s22 =	smulhi.u32 $0x431BDE83, s22;
	s20 =	spop (v2sf)  }
0x60: {  	v4 =	vadd.s32 v5, v4;
	s21 =	sadd.s32 s5, s11;
	s12 =	smul.u32 $0x431BDE83, s12;
	s25 =	sshra.s32 s24, $0x1F;
	(v2sf) =	vpush v3, $0x6  }
0x61: {  	v4 =	vmul.u32 $0x3D09, v4;
	s17 =	smul.u32 $0x431BDE83, s23;
	s11 =	sshra.s32 s20, $0x1F;
	s5 =	spop (v2sf)  }
0x62: {  	s18 =	sadd.s32 s14, s18;
	s26 =	smulhi.u32 $0x431BDE83, s20;
	s23 =	sshra.s32 s5, $0x1F  }
0x63: {  	s14 =	sshrl.u32 s21, $0x1F;
	v4 =	vsub.s32 v2, v4;
	v2 =	vmov v3;
	s20 =	sshra.s32 s18, $0x1F;
	s28 =	smulhi.u32 $0x431BDE83, s5  }
0x64: {  	s25 =	smul.u32 $0x431BDE83, s25;
	vm9 =	vlt.s32 v4, $0x0;
	v3 =	vadd.s32 $0x3D09, v4;
	s5 =	sshra.s32 s18, $0xC;
	s29 =	spop (v2sf);
	(v2sf) =	vpush v2, $0xB  }
0x65: {  	v3 =	vsel vm9, v3, v4;
	vm9 =	vcmask $0x704;
	s23 =	smul.u32 $0x431BDE83, s23;
	s30 =	sshra.s32 s29, $0x1F;
	s31 =	spop (v2sf)  }
0x66: {  	s6 =	smulhi.u32 $0x431BDE83, s24;
	s13 =	sshra.s32 s31, $0x1F;
	s7 =	spop (v2sf);
	[tilespmem:s2+$0x200] =	vst v3  }
0x67: {  	s24 =	sshra.s32 s21, $0x1F;
	s23 =	sadd.s32 s23, s28;
	s2 =	smul.u32 $0x431BDE83, s11;
	(v2sf) =	vpush v2, $0x5  }
0x68: {  	s6 =	sadd.s32 s25, s6;
	s28 =	smulhi.u32 $0x431BDE83, s29;
	s11 =	sshra.s32 s19, $0x2  }
0x69: {  	s25 =	sshra.s32 s6, $0xC;
	s19 =	smulhi.u32 $0x431BDE83, s10;
	s2 =	sadd.s32 s2, s26;
	v3 =	vld [tilespmem:s11+$0x0]  }
0x6a: {  	s6 =	sshrl.u32 s6, $0x1F;
	s31 =	smulhi.u32 $0x431BDE83, s31;
	s10 =	sshra.s32 s2, $0xC  }
0x6b: {  	s18 =	sshrl.u32 s18, $0x1F;
	v5 =	vmov s6;
	s6 =	smul.u32 $0x431BDE83, s13;
	s26 =	sshra.s32 s7, $0x1F;
	v6 =	vmov s10  }
0x6c: {  	s9 =	sadd.s32 s9, s3;
	s7 =	smulhi.u32 $0x431BDE83, s7;
	s10 =	sadd.s32 s12, s22  }
0x6d: {  	s13 =	smul.u32 $0x431BDE83, s30;
	s22 =	sshrl.u32 s23, $0x1F;
	s12 =	spop (v2sf)  }
0x6e: {  	s3 =	sshra.s32 s9, $0xC;
	v8 =	vmov s15;
	s15 =	sshra.s32 s21, $0xC;
	s26 =	smul.u32 $0x431BDE83, s26;
	v4 =	vshra.s32 v3, $0x6;
	v7 =	vand.u32 $0xFFFF, v3  }
0x6f: {  	s21 =	sshrl.u32 s2, $0x1F;
	v3 =	vand.u32 $0xFFFFFC00, v4;
	[tilespmem:s11+$0x400] =	vst v7;
	v4 =	vmov s25;
	v7 =	vsel vm4, s3, v8;
	s25 =	sshra.s32 s9, $0x1F;
	s3 =	spop (v2sf)  }
.Ltmp2:
0x70: {  	s2 =	sadd.s32 s13, s28;
	s9 =	sshrl.u32 s9, $0x1F;
	(v2sf) =	vpush v3, $0x0;
	v7 =	vsel vm9, s25, v7;
	(pc) =	sbr.rel @p0 .LBB2_2-.Ltmp2, $4  }
0x71: {  	s17 =	sadd.s32 s17, s19;
	s13 =	sshra.s32 s2, $0xC;
	v8 =	vmov s9;
	s25 =	smulhi.u32 $0x431BDE83, s3;
	(v2sf) =	vpush v3, $0x7;
	v9 =	vsel vm0, s15, v7  }
0x72: {  	s23 =	sshra.s32 s23, $0xC;
	s28 =	sadd.s32 s26, s7;
	s7 =	sshra.s32 s12, $0x1F;
	v7 =	vnsel vm4, $0x0, v8;
	(v2sf) =	vpush v3, $0x1;
	v8 =	vsel vm11, s24, v9  }
0x73: {  	s30 =	sshrl.u32 s28, $0x1F;
	s15 =	smulhi.u32 $0x431BDE83, s12;
	(v2sf) =	vpush v3, $0x2;
	v8 =	vsel vm1, s5, v8;
	s24 =	spop (v2sf)  }
0x74: {  	v6 =	vsel vm0, s13, v6;
	s9 =	sadd.s32 s6, s31;
	s5 =	smul.u32 $0x431BDE83, s7;
	v8 =	vsel vm12, s20, v8;
	s20 =	smov.u32 s4  }
0x75: {  	(v2sf) =	vpush v3, $0x3;
	_ =	sdelay $0x1  }
0x76: {  	(v2sf) =	vpush v3, $0x4  }
0x77: {  	(v2sf) =	vpush v3, $0xC  }
0x78: {  	(v2sf) =	vpush v3, $0x8  }
0x79: {  	s4 =	sshra.s32 s24, $0x1F;
	s26 =	smulhi.u32 $0x431BDE83, s24;
	(v2sf) =	vpush v3, $0xE  }
0x7a: {  	s3 =	sshra.s32 s3, $0x1F;
	s31 =	smul.u32 $0x431BDE83, s4  }
0x7b: {  	s6 =	spop (v2sf);
	s4 =	smul.u32 $0x431BDE83, s3  }
0x7c: {  	s0 =	smulhi.u32 $0x431BDE83, s6;
	s6 =	sshra.s32 s6, $0x1F;
	[smem:$0x7EB] =	sst s26  }
0x7d: {  	s29 =	smul.u32 $0x431BDE83, s6;
	[smem:$0x7EE] =	sst s4  }
0x7e: {  	[smem:$0x7EC] =	sst s0;
	s13 =	spop (v2sf)  }
0x7f: {  	[smem:$0x7ED] =	sst s29;
	s19 =	spop (v2sf)  }
0x80: {  	s20 =	spop (v2sf);
	s6 =	sshra.s32 s19, $0x1F;
	s7 =	smulhi.u32 $0x431BDE83, s19  }
0x81: {  	s24 =	smul.u32 $0x431BDE83, s6;
	s26 =	spop (v2sf)  }
0x82: {  	s12 =	smulhi.u32 $0x431BDE83, s20;
	[smem:$0x7EF] =	sst s7  }
0x83: {  	s19 =	smulhi.u32 $0x431BDE83, s26;
	s26 =	sshra.s32 s26, $0x1F;
	s29 =	spop (v2sf)  }
0x84: {  	[smem:$0x7F0] =	sst s12;
	s26 =	smul.u32 $0x431BDE83, s26  }
0x85: {  	s20 =	sshra.s32 s20, $0x1F;
	s12 =	spop (v2sf);
	[smem:$0x7F1] =	sst s19  }
0x86: {  	s19 =	smul.u32 $0x431BDE83, s20;
	s6 =	spop (v2sf);
	s0 =	sshra.s32 s12, $0x1F  }
0x87: {  	s4 =	spop (v2sf);
	s7 =	smul.u32 $0x431BDE83, s0  }
0x88: {  	[smem:$0x7F2] =	sst s26;
	s20 =	spop (v2sf)  }
0x89: {  	(v2sf) =	vpush v3, $0x9;
	[smem:$0x7F9] =	sst s7;
	s7 =	sshra.s32 s6, $0x1F;
	s26 =	smulhi.u32 $0x431BDE83, s20  }
0x8a: {  	s3 =	sshra.s32 s20, $0x1F;
	s20 =	smul.u32 $0x431BDE83, s7  }
0x8b: {  	s7 =	smul.u32 $0x431BDE83, s3  }
0x8c: {  	s3 =	smulhi.u32 $0x431BDE83, s29;
	[smem:$0x7F3] =	sst s26  }
0x8d: {  	[smem:$0x7F4] =	sst s20  }
0x8e: {  	s29 =	sshra.s32 s29, $0x1F;
	[smem:$0x7F7] =	sst s3  }
0x8f: {  	s26 =	smulhi.u32 $0x431BDE83, s4;
	s20 =	sadd.s32 s5, s15;
	s15 =	sld [smem:$0x7EB]  }
0x90: {  	s4 =	sshra.s32 s4, $0x1F;
	s5 =	smul.u32 $0x431BDE83, s29;
	s29 =	sld [smem:$0x7ED]  }
0x91: {  	s4 =	smul.u32 $0x431BDE83, s4;
	[smem:$0x7F5] =	sst s26  }
0x92: {  	s26 =	sld [smem:$0x7EC]  }
0x93: {  	[smem:$0x7F6] =	sst s4  }
0x94: {  	s3 =	smulhi.u32 $0x431BDE83, s12;
	s4 =	sld [smem:$0x7EE]  }
0x95: {  	[smem:$0x7F8] =	sst s5;
	s31 =	sadd.s32 s31, s15;
	s15 =	sadd.s32 s29, s26  }
0x96: {  	s29 =	smulhi.u32 $0x431BDE83, s13;
	s13 =	sshra.s32 s13, $0x1F;
	s26 =	sld [smem:$0x7F0]  }
0x97: {  	(v2sf) =	vpush v3, $0xA;
	s12 =	sadd.s32 s4, s25;
	s25 =	smul.u32 $0x431BDE83, s13;
	s13 =	sld [smem:$0x7EF]  }
0x98: {  	[smem:$0x7FA] =	sst s3;
	s3 =	spop (v2sf)  }
0x99: {  	(v2sf) =	vpush v3, $0xD;
	s5 =	sshra.s32 s3, $0x1F;
	s26 =	sadd.s32 s19, s26;
	s19 =	sld [smem:$0x7F2]  }
0x9a: {  	s0 =	sadd.s32 s24, s13;
	s24 =	smul.u32 $0x431BDE83, s5;
	s5 =	sld [smem:$0x7F1]  }
0x9b: {  	_ =	sdelay $0x1  }
0x9c: {  	s19 =	sadd.s32 s19, s5;
	s5 =	sld [smem:$0x7F3];
	_ =	sdelay $0x1  }
0x9d: {  	[dreg:$0x1d] =	wrdreg s0  }
0x9e: {  	s0 =	sadd.s32 s7, s5;
	s5 =	sld [smem:$0x7F4]  }
0x9f: {  	s6 =	smulhi.u32 $0x431BDE83, s6;
	(v2sf) =	vpush v3, $0xF  }
0xa0: {  	[dreg:$0x18] =	wrdreg s0  }
0xa1: {  	s0 =	sadd.s32 s5, s6;
	s5 =	sld [smem:$0x7F5]  }
0xa2: {  	[smem:$0x7FB] =	sst s0  }
0xa3: {  	s0 =	sld [smem:$0x7F6]  }
0xa4: {  	s2 =	sshrl.u32 s2, $0x1F;
	s4 =	spop (v2sf)  }
0xa5: {  	v5 =	vsel vm0, s30, v5;
	v9 =	vmov s21;
	s21 =	sshrl.u32 s15, $0x1F;
	s30 =	sshra.s32 s15, $0xC;
	s13 =	smulhi.u32 $0x431BDE83, s3  }
0xa6: {  	s3 =	spop (v2sf);
	s5 =	sadd.s32 s0, s5;
	s0 =	sld [smem:$0x7F8]  }
0xa7: {  	s7 =	smulhi.u32 $0x431BDE83, s3;
	s3 =	sshra.s32 s3, $0x1F;
	[smem:$0x7FC] =	sst s5  }
0xa8: {  	s15 =	sshra.s32 s15, $0x1F;
	s5 =	smul.u32 $0x431BDE83, s3;
	s3 =	sld [smem:$0x7F7]  }
0xa9: {  	v7 =	vsel vm0, s14, v7;
	v5 =	vsel vm1, s22, v5;
	v9 =	vsel vm0, s2, v9;
	s22 =	sshrl.u32 s12, $0x1F;
	s2 =	sshra.s32 s12, $0xC;
	s12 =	sshra.s32 s12, $0x1F  }
0xaa: {  	v7 =	vsel vm1, s18, v7;
	s25 =	sadd.s32 s25, s29;
	s29 =	sld [smem:$0x7F9];
	s18 =	sshra.s32 s26, $0x1F  }
0xab: {  	s13 =	sadd.s32 s24, s13;
	s3 =	sadd.s32 s0, s3;
	s0 =	sld [smem:$0x7FA]  }
0xac: {  	(v2sf) =	vpush v3, $0x6;
	s24 =	sshrl.u32 s9, $0x1F;
	s6 =	smulhi.u32 $0x431BDE83, s4;
	s4 =	sshra.s32 s4, $0x1F  }
0xad: {  	(v2sf) =	vpush v3, $0xB;
	s9 =	sshra.s32 s9, $0xC;
	[dreg:$0x15] =	wrdreg s3;
	s3 =	smul.u32 $0x431BDE83, s4  }
0xae: {  	v9 =	vsel vm1, s24, v9;
	s24 =	spop (v2sf);
	s4 =	sadd.s32 s29, s0;
	s29 =	sadd.s32 s5, s7  }
0xaf: {  	(v2sf) =	vpush v3, $0x5;
	s3 =	sadd.s32 s3, s6;
	s5 =	sshrl.u32 s20, $0x1F;
	s20 =	sshra.s32 s20, $0xC  }
0xb0: {  	s0 =	sshra.s32 s10, $0xC;
	s6 =	sshra.s32 s17, $0x1F;
	[dreg:$0xf] =	wrdreg s4  }
0xb1: {  	s7 =	sshra.s32 s31, $0xC;
	s31 =	sshrl.u32 s31, $0x1F;
	[smem:$0x7FD] =	sst s29  }
0xb2: {  	[dreg:$0x12] =	wrdreg s3;
	s3 =	sshra.s32 s28, $0xC;
	s29 =	sshra.s32 s10, $0x1F  }
0xb3: {  	s10 =	sshrl.u32 s10, $0x1F;
	s4 =	sshra.s32 s17, $0xC;
	s17 =	sshrl.u32 s17, $0x1F  }
0xb4: {  	v5 =	vsel vm2, s5, v5;
	v8 =	vsel vm2, s0, v8;
	s28 =	sshra.s32 s8, $0xC;
	s8 =	sshrl.u32 s8, $0x1F;
	s0 =	sld [smem:$0x7FB]  }
0xb5: {  	s5 =	sshrl.u32 s26, $0x1F;
	v9 =	vsel vm2, s31, v9;
	s31 =	sshra.s32 s25, $0xC;
	v4 =	vsel vm0, s3, v4;
	v8 =	vsel vm13, s29, v8;
	s29 =	sshra.s32 s19, $0xC  }
0xb6: {  	v4 =	vsel vm1, s23, v4;
	s23 =	sshra.s32 s19, $0x1F;
	v8 =	vsel vm5, s4, v8;
	s4 =	sshrl.u32 s19, $0x1F;
	s19 =	sld [smem:$0x7FC]  }
0xb7: {  	v7 =	vsel vm2, s10, v7;
	s3 =	sshra.s32 s0, $0xC;
	s14 =	sshrl.u32 s0, $0x1F;
	v8 =	vsel vm14, s6, v8;
	s6 =	sshra.s32 s26, $0xC  }
0xb8: {  	v6 =	vsel vm1, s9, v6;
	v5 =	vcombine.low v9, v5;
	v7 =	vsel vm5, s17, v7;
	s26 =	sshra.s32 s24, $0x1F;
	s0 =	sshra.s32 s25, $0x1F;
	s25 =	sshrl.u32 s25, $0x1F  }
0xb9: {  	v6 =	vsel vm2, s7, v6;
	v4 =	vsel vm2, s20, v4;
	v7 =	vsel vm6, s21, v7;
	s21 =	sshra.s32 s13, $0xC;
	s10 =	smul.u32 $0x431BDE83, s26;
	s26 =	rddreg [dreg:$0x18]  }
0xba: {  	v5 =	vperm.xlane v5, v0;
	v8 =	vsel vm6, s30, v8;
	v7 =	vsel vm7, s22, v7;
	s9 =	sshra.s32 s19, $0xC;
	s7 =	sshrl.u32 s19, $0x1F;
	s19 =	smulhi.u32 $0x431BDE83, s24  }
0xbb: {  	v12 =	vmov s14;
	v8 =	vsel vm15, s15, v8;
	s24 =	rddreg [dreg:$0x1d];
	s15 =	spop (v2sf);
	v7 =	vsel vm10, s8, v7;
	s8 =	sshra.s32 s26, $0xC  }
0xbc: {  	v13 =	vmov s3;
	v14 =	vmov s25;
	s30 =	sshra.s32 s24, $0x1F;
	v8 =	vsel vm7, s2, v8;
	s17 =	smulhi.u32 $0x431BDE83, s15;
	s22 =	spop (v2sf)  }
0xbd: {  	v4 =	vcombine.low v6, v4;
	s20 =	sshra.s32 s15, $0x1F;
	v10 =	vmov s30;
	v8 =	vsel vm3, s12, v8;
	s12 =	sshrl.u32 s26, $0x1F;
	s30 =	sld [smem:$0x7FD]  }
0xbe: {  	v14 =	vnsel vm4, $0x0, v14;
	s25 =	sadd.s32 s10, s19;
	s19 =	smulhi.u32 $0x431BDE83, s22;
	v10 =	vsel vm4, s31, v10;
	v8 =	vsel vm10, s28, v8;
	s28 =	spop (v2sf)  }
0xbf: {  	v11 =	vmov s9;
	v15 =	vmov s7;
	s10 =	sshrl.u32 s25, $0x1F;
	s2 =	sshra.s32 s25, $0xC;
	s25 =	rddreg [dreg:$0xf];
	v10 =	vsel vm9, s0, v10  }
0xc0: {  	v14 =	vsel vm0, s5, v14;
	v4 =	vperm.xlane v4, v0;
	s0 =	rddreg [dreg:$0x15];
	s31 =	sshrl.u32 s30, $0x1F;
	v10 =	vsel vm0, s6, v10;
	s6 =	sshrl.u32 s13, $0x1F  }
0xc1: {  	v7 =	vperm.xlane v7, v1;
	v11 =	vsel vm0, s21, v11;
	s13 =	sshra.s32 s22, $0x1F;
	s14 =	sshra.s32 s30, $0xC;
	s30 =	smulhi.u32 $0x431BDE83, s28;
	v10 =	vsel vm11, s18, v10  }
0xc2: {  	v14 =	vsel vm1, s4, v14;
	s15 =	sshrl.u32 s25, $0x1F;
	s22 =	rddreg [dreg:$0x12];
	s26 =	smul.u32 $0x431BDE83, s13;
	v12 =	vsel vm0, s31, v12;
	v10 =	vsel vm1, s29, v10  }
0xc3: {  	s31 =	sshra.s32 s28, $0x1F;
	v13 =	vsel vm0, s14, v13;
	s28 =	smul.u32 $0x431BDE83, s20;
	v12 =	vsel vm1, s12, v12;
	s12 =	sshra.s32 s0, $0xC;
	v10 =	vsel vm12, s23, v10  }
0xc4: {  	s21 =	sshra.s32 s0, $0x1F;
	v15 =	vsel vm0, s6, v15;
	s7 =	smul.u32 $0x431BDE83, s31;
	v13 =	vsel vm1, s8, v13;
	s31 =	sshra.s32 s22, $0xC;
	v10 =	vsel vm2, s12, v10  }
0xc5: {  	s0 =	sshrl.u32 s0, $0x1F;
	v12 =	vsel vm2, s10, v12;
	s3 =	sadd.s32 s26, s19;
	s26 =	sshra.s32 s25, $0xC;
	v13 =	vsel vm2, s2, v13;
	v10 =	vsel vm13, s21, v10  }
0xc6: {  	s23 =	sshrl.u32 s22, $0x1F;
	v11 =	vsel vm1, s31, v11;
	v14 =	vsel vm2, s0, v14;
	s29 =	sadd.s32 s7, s30;
	s30 =	sshra.s32 s25, $0x1F;
	v10 =	vsel vm5, s26, v10  }
0xc7: {  	v15 =	vsel vm1, s23, v15;
	s13 =	sshra.s32 s3, $0xC;
	s3 =	sshrl.u32 s3, $0x1F;
	v14 =	vsel vm5, s15, v14;
	s8 =	sshra.s32 s29, $0xC;
	v10 =	vsel vm14, s30, v10  }
0xc8: {  	s10 =	sadd.s32 s28, s17;
	s14 =	sshra.s32 s29, $0x1F;
	v11 =	vsel vm2, s13, v11;
	v15 =	vsel vm2, s3, v15;
	s19 =	sshrl.u32 s29, $0x1F;
	v10 =	vsel vm6, s8, v10  }
0xc9: {  	s17 =	sshra.s32 s10, $0xC;
	s2 =	sshrl.u32 s10, $0x1F;
	v59 =	vcombine.low v11, v13;
	v61 =	vsel vm6, s19, v14;
	v10 =	vsel vm15, s14, v10  }
0xca: {  	s18 =	sshra.s32 s10, $0x1F;
	s21 =	sshrl.u32 s24, $0x1F;
	v60 =	vcombine.low v15, v12;
	v11 =	vsel vm7, s2, v61;
	v10 =	vsel vm7, s17, v10  }
0xcb: {  	v8 =	vperm.xlane v8, v1;
	s20 =	sshra.s32 s24, $0xC;
	v11 =	vsel vm10, s21, v11;
	v10 =	vsel vm3, s18, v10  }
0xcc: {  	v6 =	vperm.xlane v59, v0;
	v9 =	vperm.xlane v60, v0;
	v10 =	vsel vm10, s20, v10  }
0xcd: {  	v11 =	vperm.xlane v11, v1;
	v10 =	vperm.xlane v10, v1  }
0xce: {  	v5 =	vsel vm8, v7, v5;
	v4 =	vsel vm8, v8, v4  }
0xcf: {  	v4 =	vadd.s32 v5, v4;
	v62 =	vsel vm8, v11, v9;
	v6 =	vsel vm8, v10, v6  }
0xd0: {  	v4 =	vmul.u32 $0x3D09, v4;
	v5 =	vadd.s32 v62, v6  }
0xd1: {  	v5 =	vmul.u32 $0x3D09, v5  }
0xd2: {  	v2 =	vsub.s32 v2, v4  }
0xd3: {  	vm9 =	vlt.s32 v2, $0x0;
	v4 =	vadd.s32 $0x3D09, v2;
	v3 =	vsub.s32 v3, v5  }
0xd4: {  	v2 =	vsel vm9, v4, v2;
	vm9 =	vlt.s32 v3, $0x0;
	v63 =	vadd.s32 $0x3D09, v3  }
0xd5: {  	[tilespmem:s1+$0x200] =	vst v2;
	v3 =	vsel vm9, v63, v3  }
0xd6: {  	s22 =	rddreg [dreg:$0x5];
	s23 =	simm.s32 $0x200;
	s24 =	simm.s32 $0x600;
	[tilespmem:s11+$0x200] =	vst v3  }
0xd7: {  	[tilespmem:s24], [sflag:$0x1] =	stream.indirect.gather [hbm4b:s22+s16], $0x20, s23, s16, $0xb8;
	[tilespmem:$0x8C00] =	vst v63  }
0xd8: {  	s25 =	simm.s32 $0x280;
	s26 =	simm.s32 $0x1600  }
0xd9: {  	[tilespmem:s26], [sflag:$0x1] =	stream.indirect.gather [hbm4b:s22+s16], $0x20, s25, s16, $0xb8;
	[tilespmem:$0x8C00] =	vst v63  }
.Ltmp3:
0xda: {  	_ = 	snop;
	(pc) =	sbr.rel .LBB2_4-.Ltmp3, $4  }
0xdb: {  	s28 =	simm.s32 $0x300;
	s29 =	simm.s32 $0x2600  }
0xdc: {  	[tilespmem:s29], [sflag:$0x1] =	stream.indirect.gather [hbm4b:s22+s16], $0x20, s28, s16, $0xb8;
	[tilespmem:$0x8C00] =	vst v63  }
0xdd: {  	s5 =	simm.s32 $0x0;
	s31 =	simm.s32 $0x3600;
	s30 =	simm.s32 $0x380  }
0xde: {  	vm3 =	vcmask $0x704;
	[tilespmem:s31], [sflag:$0x1] =	stream.indirect.gather [hbm4b:s22+s16], $0x20, s30, s16, $0xb8;
	[tilespmem:$0x8C00] =	vst v63  }
.LBB2_10:
0xdf: {  	s3 =	simm.s32 $0x2  }
0xe0: {  	_ =	swait.ge [sflag:s3], $0x1000  }
0xe1: {  	[sflag:s3] =	ssyncset.done $0x0  }
0xe2: {  	[sflag:s3] =	ssyncadd.s32 $0xFFFFF000  }
0xe3: {  	_ =	swait.ge [sflag:s3], $0x1000  }
0xe4: {  	[sflag:s3] =	ssyncset.done $0x0  }
0xe5: {  	[sflag:s3] =	ssyncadd.s32 $0xFFFFF000  }
0xe6: {  	_ =	swait.ge [sflag:s3], $0x1000  }
0xe7: {  	[sflag:s3] =	ssyncset.done $0x0  }
0xe8: {  	[sflag:s3] =	ssyncadd.s32 $0xFFFFF000  }
0xe9: {  	_ =	swait.ge [sflag:s3], $0x1000  }
0xea: {  	s2 =	simm.s32 $0x4C00;
	[sflag:s3] =	ssyncset.done $0x0  }
0xeb: {  	s1 =	simm.s32 $0x4A00;
	s0 =	rddreg [dreg:$0x6];
	[sflag:s3] =	ssyncadd.s32 $0xFFFFF000  }
0xec: {  	[tilespmem:s2], [sflag:$0x2] =	stream.indirect.gather.add.f32 [hbm:s0], $0x20, s1, s16, $0xb8;
	[tilespmem:$0x8C00] =	vst v63  }
0xed: {  	s23 =	simm.s32 $0x5C00;
	s4 =	simm.s32 $0x4A80  }
0xee: {  	[tilespmem:s23], [sflag:$0x2] =	stream.indirect.gather.add.f32 [hbm:s0], $0x20, s4, s16, $0xb8;
	[tilespmem:$0x8C00] =	vst v63  }
0xef: {  	s24 =	simm.s32 $0x6C00;
	s25 =	simm.s32 $0x4B00  }
0xf0: {  	[tilespmem:s24], [sflag:$0x2] =	stream.indirect.gather.add.f32 [hbm:s0], $0x20, s25, s16, $0xb8;
	[tilespmem:$0x8C00] =	vst v63  }
0xf1: {  	s26 =	simm.s32 $0x7C00;
	s28 =	simm.s32 $0x4B80  }
0xf2: {  	[tilespmem:s26], [sflag:$0x2] =	stream.indirect.gather.add.f32 [hbm:s0], $0x20, s28, s16, $0xb8;
	[tilespmem:$0x8C00] =	vst v63  }
0xf3: {  	_ =	swait.ge [sflag:s3], $0x1000  }
0xf4: {  	[sflag:s3] =	ssyncset.done $0x0  }
0xf5: {  	[sflag:s3] =	ssyncadd.s32 $0xFFFFF000  }
0xf6: {  	_ =	swait.ge [sflag:s3], $0x1000  }
0xf7: {  	[sflag:s3] =	ssyncset.done $0x0  }
0xf8: {  	[sflag:s3] =	ssyncadd.s32 $0xFFFFF000  }
0xf9: {  	_ =	swait.ge [sflag:s3], $0x1000  }
0xfa: {  	[sflag:s3] =	ssyncset.done $0x0  }
0xfb: {  	s5 =	sadd.s32 $0x1, s5;
	[sflag:s3] =	ssyncadd.s32 $0xFFFFF000  }
0xfc: {  	p0 =	sne.s32 s5, $0xD;
	_ =	swait.ge [sflag:s3], $0x1000  }
.Ltmp4:
0xfd: {  	s29 =	rddreg [dreg:$0xd];
	[sflag:s3] =	ssyncset.done $0x0;
	(pc) =	sbr.rel @!p0 .LBB2_11-.Ltmp4, $4  }
0xfe: {  	s0 =	sshll.u32 s29, $0x2;
	[sflag:s3] =	ssyncadd.s32 $0xFFFFF000  }
0xff: {  	s0 =	sand.u32 $0x1FFFF800, s0;
	s30 =	rddreg [dreg:$0x1]  }
0x100: {  	s31 =	simm.s32 $0x0;
	s0 =	sadd.s32 s30, s0  }
0x101: {  	vm3 =	vcmask $0x704;
	[hbm4b:s0+s31] =	stream.linear.scatter [tilespmem:s2], [sflag:$0x4], $0x4000, $0x38;
	[tilespmem:$0x8C00] =	vst v63  }
.LBB2_4:
0x102: {  	s1 =	sshll.u32 s5, $0xA;
	[dreg:$0xc] =	wrdreg s5;
	p0 =	seq.s32 s5, $0x0  }
0x103: {  	s0 =	rddreg [dreg:$0x3];
	s25 =	simm.s32 $0x4600;
	s26 =	simm.s32 $0x0  }
0x104: {  	[dreg:$0xe] =	wrdreg s1;
	s2 =	sadd.s32 s1, s0;
	s3 =	simm.s32 @!p0 $0x4  }
0x105: {  	s28 =	simm.s32 $0x5;
	s0 =	sadd.s32 $0x200, s2;
	_ =	swait.ge @!p0 [sflag:s3], $0x4000  }
0x106: {  	[sflag:s3] =	ssyncset.done @!p0 $0x0;
	s2 =	sshrl.u32 s0, $0x3;
	s24 =	rddreg [dreg:$0x4]  }
0x107: {  	[dreg:$0xd] =	wrdreg s0;
	[sflag:s3] =	ssyncadd.s32 @!p0 $0xFFFFC000;
	s2 =	sadd.s32 s24, s2  }
0x108: {  	[tilespmem:s25], [sflag:$0x5] =	stream.linear.gather [hbm4b:s2+s26], $0x200, $0x38;
	[tilespmem:$0x8C00] =	vst v63  }
0x109: {  	_ =	swait.ge [sflag:s28], $0x200  }
0x10a: {  	[sflag:s28] =	ssyncset.done $0x0  }
0x10b: {  	s8 =	simm.s32 $0x0;
	[sflag:s28] =	ssyncadd.s32 $0xFFFFFE00  }
0x10c: {  	v3 =	vld [tilespmem:s8+$0x4600];
	_ =	sdelay $0x4  }
0x10d: {  	v2 =	vshra.s32 v3, $0x6  }
0x10e: {  	v2 =	vand.u32 $0xFFFFFC00, v2  }
0x10f: {  	(v2sf) =	vpush v2, $0x0  }
0x110: {  	(v2sf) =	vpush v2, $0x7;
	_ =	sdelay $0x2  }
0x111: {  	(v2sf) =	vpush v2, $0x1  }
0x112: {  	(v2sf) =	vpush v2, $0x2;
	_ =	sdelay $0x2  }
0x113: {  	(v2sf) =	vpush v2, $0x3;
	_ =	sdelay $0x1  }
0x114: {  	(v2sf) =	vpush v2, $0x4  }
0x115: {  	(v2sf) =	vpush v2, $0xC;
	_ =	sdelay $0x1  }
0x116: {  	(v2sf) =	vpush v2, $0x8  }
0x117: {  	(v2sf) =	vpush v2, $0xE  }
0x118: {  	s30 =	spop (v2sf)  }
0x119: {  	s3 =	smulhi.u32 $0x431BDE83, s30;
	s4 =	spop (v2sf)  }
0x11a: {  	s10 =	sshra.s32 s30, $0x1F;
	s31 =	sshra.s32 s4, $0x1F;
	s4 =	smulhi.u32 $0x431BDE83, s4  }
0x11b: {  	(v2sf) =	vpush v2, $0x9;
	s10 =	smul.u32 $0x431BDE83, s10  }
0x11c: {  	s6 =	spop (v2sf);
	s5 =	smul.u32 $0x431BDE83, s31  }
0x11d: {  	s7 =	spop (v2sf);
	s9 =	smulhi.u32 $0x431BDE83, s6  }
0x11e: {  	s0 =	sshra.s32 s6, $0x1F;
	s1 =	smulhi.u32 $0x431BDE83, s7  }
0x11f: {  	s7 =	sshra.s32 s7, $0x1F;
	s2 =	smul.u32 $0x431BDE83, s0  }
0x120: {  	s22 =	simm.s32 $0x80;
	(v2sf) =	vpush v2, $0xA;
	s11 =	spop (v2sf);
	s7 =	smul.u32 $0x431BDE83, s7  }
0x121: {  	(v2sf) =	vpush v2, $0xD;
	s3 =	sadd.s32 s10, s3;
	s15 =	smulhi.u32 $0x431BDE83, s11;
	s17 =	sshra.s32 s11, $0x1F  }
0x122: {  	s12 =	spop (v2sf);
	s11 =	sadd.s32 s5, s4;
	s17 =	smul.u32 $0x431BDE83, s17  }
0x123: {  	s13 =	sshra.s32 s12, $0x1F;
	s14 =	spop (v2sf);
	s12 =	smulhi.u32 $0x431BDE83, s12  }
0x124: {  	s19 =	sshra.s32 s11, $0x1F;
	s23 =	sadd.s32 s2, s9;
	s13 =	smul.u32 $0x431BDE83, s13  }
0x125: {  	(v2sf) =	vpush v2, $0xF;
	s18 =	spop (v2sf);
	s20 =	sshra.s32 s14, $0x1F;
	s14 =	smulhi.u32 $0x431BDE83, s14  }
0x126: {  	(v2sf) =	vpush v2, $0x6;
	s6 =	sadd.s32 s7, s1;
	s5 =	spop (v2sf);
	s16 =	smulhi.u32 $0x431BDE83, s18  }
0x127: {  	s28 =	smul.u32 $0x431BDE83, s20;
	s30 =	sshra.s32 s18, $0x1F;
	s18 =	sshrl.u32 s23, $0x1F  }
0x128: {  	(v2sf) =	vpush v2, $0xB;
	s2 =	sshra.s32 s6, $0x1F;
	s24 =	sshra.s32 s6, $0xC;
	s10 =	sadd.s32 s17, s15  }
0x129: {  	v3 =	vand.u32 $0xFFFF, v3;
	s20 =	sshrl.u32 s6, $0x1F;
	s21 =	smulhi.u32 $0x431BDE83, s5;
	s26 =	sshra.s32 s5, $0x1F  }
0x12a: {  	[tilespmem:s8+$0x4A00] =	vst v3;
	v3 =	vmov s19;
	s25 =	spop (v2sf);
	s0 =	smul.u32 $0x431BDE83, s30;
	s19 =	sadd.s32 s13, s12  }
0x12b: {  	s13 =	sshra.s32 s3, $0x1F;
	s31 =	smul.u32 $0x431BDE83, s26;
	s26 =	sshra.s32 s25, $0x1F  }
0x12c: {  	(v2sf) =	vpush v2, $0x5;
	s4 =	sadd.s32 s28, s14;
	s14 =	simm.s32 $0x10;
	s28 =	smulhi.u32 $0x431BDE83, s25  }
0x12d: {  	s5 =	sadd.s32 s0, s16;
	v6 =	vld [tilespmem:s14+$0x4600];
	s16 =	sshra.s32 s4, $0xC;
	s4 =	sshrl.u32 s4, $0x1F  }
0x12e: {  	vm11 =	vcmask $0xF0C;
	vm12 =	vcmask $0x1714;
	s26 =	smul.u32 $0x431BDE83, s26;
	s9 =	sadd.s32 s31, s21;
	s31 =	sshra.s32 s23, $0x1F  }
0x12f: {  	vm13 =	vcmask $0x1F1C;
	vm14 =	vcmask $0x2724;
	vm15 =	vcmask $0x2F2C;
	s0 =	sshra.s32 s5, $0xC;
	s25 =	sshrl.u32 s5, $0x1F;
	s29 =	spop (v2sf)  }
0x130: {  	vm5 =	vcmask $0x2320;
	vm6 =	vcmask $0x2B28;
	vm7 =	vcmask $0x3330;
	s7 =	sshra.s32 s29, $0x1F;
	s1 =	spop (v2sf);
	s30 =	smulhi.u32 $0x431BDE83, s29  }
0x131: {  	vm10 =	vcmask $0x3B38;
	v5 =	vmov s4;
	v4 =	vmov s16;
	s29 =	smulhi.u32 $0x431BDE83, s1;
	s21 =	sshra.s32 s1, $0x1F;
	s1 =	sshra.s32 s3, $0xC  }
0x132: {  	s17 =	sshrl.u32 s9, $0x1F;
	v7 =	vmov s0;
	s4 =	sadd.s32 s26, s28;
	v8 =	vshra.s32 v6, $0x6;
	s7 =	smul.u32 $0x431BDE83, s7;
	v3 =	vsel vm4, s1, v3  }
0x133: {  	s28 =	sshra.s32 s23, $0xC;
	v10 =	vand.u32 $0xFFFF, v6;
	s3 =	sshrl.u32 s3, $0x1F;
	s15 =	smul.u32 $0x431BDE83, s21;
	v9 =	vsel vm3, s13, v3;
	v3 =	vand.u32 $0xFFFFFC00, v8  }
0x134: {  	s16 =	spop (v2sf);
	v8 =	vmov s3;
	s3 =	sadd.s32 s7, s30;
	s30 =	sshra.s32 s4, $0xC;
	v9 =	vsel vm0, s28, v9;
	(v2sf) =	vpush v3, $0x0  }
0x135: {  	vm3 =	vcmask $0x3734;
	s21 =	sadd.s32 s15, s29;
	s29 =	spop (v2sf);
	s15 =	smulhi.u32 $0x431BDE83, s16;
	(v2sf) =	vpush v3, $0x7;
	v6 =	vsel vm11, s31, v9  }
0x136: {  	s23 =	smulhi.u32 $0x431BDE83, s29;
	s31 =	sshra.s32 s16, $0x1F;
	s26 =	sshrl.u32 s21, $0x1F;
	(v2sf) =	vpush v3, $0x1;
	v9 =	vsel vm1, s24, v6;
	v6 =	vsel vm0, s30, v7  }
0x137: {  	[tilespmem:s14+$0x4A00] =	vst v10;
	s12 =	spop (v2sf);
	v7 =	vnsel vm4, $0x0, v8;
	s5 =	smul.u32 $0x431BDE83, s31;
	(v2sf) =	vpush v3, $0x2;
	v8 =	vsel vm12, s2, v9;
	s2 =	sshra.s32 s9, $0xC  }
.LBB2_5:
0x138: {  	s6 =	sshrl.u32 s4, $0x1F;
	s7 =	sshra.s32 s12, $0x1F  }
0x139: {  	s9 =	sshra.s32 s21, $0xC;
	s21 =	smov.u32 s22;
	s4 =	smov.u32 s8  }
0x13a: {  	(v2sf) =	vpush v3, $0x3;
	s8 =	smov.u32 s14;
	s12 =	smulhi.u32 $0x431BDE83, s12;
	p0 =	sne.s32 s22, $0x7C0  }
0x13b: {  	v5 =	vsel vm0, s26, v5;
	v9 =	vmov s25;
	(v2sf) =	vpush v3, $0x4;
	s5 =	sadd.s32 s5, s15;
	s7 =	smul.u32 $0x431BDE83, s7;
	s13 =	spop (v2sf)  }
0x13c: {  	v5 =	vsel vm1, s17, v5;
	v9 =	vsel vm0, s6, v9;
	s14 =	sshrl.u32 s5, $0x1F;
	s6 =	smulhi.u32 $0x431BDE83, s13;
	s5 =	sshra.s32 s5, $0xC  }
0x13d: {  	v7 =	vsel vm0, s18, v7;
	s15 =	sshra.s32 s10, $0xC;
	s13 =	sshra.s32 s13, $0x1F;
	(v2sf) =	vpush v3, $0xC;
	v5 =	vsel vm2, s14, v5;
	s14 =	sshra.s32 s29, $0x1F  }
0x13e: {  	s17 =	sshrl.u32 s3, $0x1F;
	v4 =	vsel vm0, s9, v4;
	s9 =	sshra.s32 s10, $0x1F;
	s10 =	sshrl.u32 s10, $0x1F;
	v8 =	vsel vm2, s15, v8;
	(v2sf) =	vpush v3, $0x8  }
0x13f: {  	v7 =	vsel vm1, s20, v7;
	v4 =	vsel vm1, s2, v4;
	s2 =	sshra.s32 s3, $0xC;
	s3 =	sshra.s32 s19, $0xC;
	s13 =	smul.u32 $0x431BDE83, s13;
	v8 =	vsel vm13, s9, v8  }
0x140: {  	v7 =	vsel vm2, s10, v7;
	s7 =	sadd.s32 s7, s12;
	s9 =	smul.u32 $0x431BDE83, s14;
	v8 =	vsel vm5, s3, v8;
	s3 =	sshra.s32 s19, $0x1F;
	(v2sf) =	vpush v3, $0xE  }
0x141: {  	s10 =	sshra.s32 s11, $0xC;
	v4 =	vsel vm2, s5, v4;
	v6 =	vsel vm1, s2, v6;
	s2 =	sshra.s32 s7, $0xC;
	s6 =	sadd.s32 s13, s6;
	v8 =	vsel vm14, s3, v8  }
0x142: {  	v9 =	vsel vm1, s17, v9;
	s3 =	sshrl.u32 s19, $0x1F;
	v6 =	vsel vm2, s2, v6;
	s5 =	sshrl.u32 s6, $0x1F;
	s2 =	sshra.s32 s6, $0xC  }
0x143: {  	s7 =	sshrl.u32 s7, $0x1F;
	v7 =	vsel vm5, s3, v7;
	s9 =	sadd.s32 s9, s23;
	v4 =	vcombine.low v6, v4;
	s3 =	sshra.s32 s6, $0x1F;
	(v2sf) =	vpush v3, $0x9  }
0x144: {  	v6 =	vsel vm2, s7, v9;
	s7 =	sshrl.u32 s9, $0x1F;
	v8 =	vsel vm6, s2, v8;
	s13 =	sshra.s32 s9, $0xC;
	(v2sf) =	vpush v3, $0xA;
	s6 =	spop (v2sf)  }
0x145: {  	v5 =	vcombine.low v6, v5;
	s9 =	sshra.s32 s9, $0x1F;
	v6 =	vsel vm15, s3, v8;
	s2 =	smulhi.u32 $0x431BDE83, s6;
	(v2sf) =	vpush v3, $0xD;
	s12 =	spop (v2sf)  }
0x146: {  	v6 =	vsel vm7, s13, v6;
	s3 =	sshra.s32 s6, $0x1F;
	s6 =	spop (v2sf);
	s14 =	sshra.s32 s12, $0x1F  }
0x147: {  	v6 =	vsel vm3, s9, v6;
	s18 =	smulhi.u32 $0x431BDE83, s12;
	s13 =	sshra.s32 s6, $0x1F;
	s15 =	spop (v2sf)  }
0x148: {  	v7 =	vsel vm6, s5, v7;
	s9 =	sadd.s32 $0x40, s22;
	v6 =	vsel vm10, s10, v6;
	s3 =	smul.u32 $0x431BDE83, s3;
	s17 =	sshra.s32 s15, $0x1F  }
0x149: {  	v7 =	vsel vm7, s7, v7;
	s7 =	sshrl.u32 s11, $0x1F;
	v6 =	vperm.xlane v6, v1;
	s5 =	smul.u32 $0x431BDE83, s14;
	s14 =	spop (v2sf)  }
0x14a: {  	v4 =	vperm.xlane v4, v0;
	v7 =	vsel vm10, s7, v7;
	s6 =	smulhi.u32 $0x431BDE83, s6;
	s12 =	sshra.s32 s14, $0x1F;
	s10 =	spop (v2sf)  }
0x14b: {  	v5 =	vperm.xlane v5, v0;
	v7 =	vperm.xlane v7, v1;
	s7 =	smulhi.u32 $0x431BDE83, s15;
	s11 =	sadd.s32 s5, s18;
	s19 =	sshra.s32 s10, $0x1F  }
0x14c: {  	s5 =	smul.u32 $0x431BDE83, s13;
	s15 =	sshra.s32 s11, $0x1F;
	s13 =	spop (v2sf);
	(v2sf) =	vpush v3, $0xF  }
0x14d: {  	v5 =	vsel vm8, v7, v5;
	v4 =	vsel vm8, v6, v4;
	s2 =	sadd.s32 s3, s2;
	s17 =	smul.u32 $0x431BDE83, s17;
	s18 =	spop (v2sf)  }
0x14e: {  	v4 =	vadd.s32 v5, v4;
	s23 =	sadd.s32 s5, s6;
	s6 =	smulhi.u32 $0x431BDE83, s14;
	s20 =	sshra.s32 s13, $0x1F;
	(v2sf) =	vpush v3, $0x6  }
0x14f: {  	v4 =	vmul.u32 $0x3D09, v4;
	s19 =	smul.u32 $0x431BDE83, s19;
	s14 =	sshra.s32 s18, $0x1F;
	s5 =	spop (v2sf)  }
0x150: {  	s7 =	sadd.s32 s17, s7;
	s25 =	smulhi.u32 $0x431BDE83, s18;
	s24 =	sshra.s32 s5, $0x1F  }
0x151: {  	s22 =	sshra.s32 s7, $0x1F;
	v4 =	vsub.s32 v2, v4;
	v2 =	vmov v3;
	s18 =	sshrl.u32 s23, $0x1F;
	s17 =	smulhi.u32 $0x431BDE83, s5  }
0x152: {  	vm9 =	vlt.s32 v4, $0x0;
	s20 =	smul.u32 $0x431BDE83, s20;
	v3 =	vadd.s32 $0x3D09, v4;
	s5 =	sshra.s32 s7, $0xC;
	s26 =	spop (v2sf);
	(v2sf) =	vpush v2, $0xB  }
0x153: {  	v3 =	vsel vm9, v3, v4;
	vm9 =	vcmask $0x704;
	s24 =	smul.u32 $0x431BDE83, s24;
	s29 =	sshra.s32 s26, $0x1F;
	s30 =	spop (v2sf)  }
0x154: {  	s13 =	smulhi.u32 $0x431BDE83, s13;
	s1 =	sshra.s32 s30, $0x1F;
	s0 =	spop (v2sf);
	[tilespmem:s4+$0x4800] =	vst v3  }
0x155: {  	s31 =	sadd.s32 s24, s17;
	s24 =	sshra.s32 s23, $0x1F;
	s4 =	smul.u32 $0x431BDE83, s14;
	(v2sf) =	vpush v2, $0x5  }
0x156: {  	s12 =	smul.u32 $0x431BDE83, s12;
	s13 =	sadd.s32 s20, s13;
	s14 =	sshra.s32 s21, $0x2  }
0x157: {  	s21 =	smulhi.u32 $0x431BDE83, s10;
	s4 =	sadd.s32 s4, s25;
	s25 =	sshra.s32 s13, $0xC;
	v3 =	vld [tilespmem:s14+$0x4600]  }
0x158: {  	s30 =	smulhi.u32 $0x431BDE83, s30;
	s13 =	sshrl.u32 s13, $0x1F;
	s10 =	sshra.s32 s4, $0xC  }
0x159: {  	s20 =	sshrl.u32 s7, $0x1F;
	s16 =	sshra.s32 s0, $0x1F;
	s0 =	smulhi.u32 $0x431BDE83, s0;
	v6 =	vmov s10  }
0x15a: {  	s7 =	sshra.s32 s2, $0xC;
	s1 =	smul.u32 $0x431BDE83, s1;
	s10 =	sadd.s32 s12, s6  }
0x15b: {  	v8 =	vmov s15;
	s17 =	sshrl.u32 s31, $0x1F;
	s15 =	smul.u32 $0x431BDE83, s16;
	v5 =	vmov s13;
	s3 =	spop (v2sf)  }
0x15c: {  	s19 =	sadd.s32 s19, s21;
	s6 =	smul.u32 $0x431BDE83, s29;
	s12 =	sshra.s32 s23, $0xC;
	v4 =	vshra.s32 v3, $0x6;
	v7 =	vand.u32 $0xFFFF, v3  }
0x15d: {  	s13 =	smulhi.u32 $0x431BDE83, s26;
	v3 =	vand.u32 $0xFFFFFC00, v4;
	[tilespmem:s14+$0x4A00] =	vst v7;
	v4 =	vmov s25;
	v7 =	vsel vm4, s7, v8;
	s7 =	sshra.s32 s2, $0x1F;
	s29 =	spop (v2sf)  }
.Ltmp5:
0x15e: {  	s25 =	sshrl.u32 s4, $0x1F;
	s2 =	sshrl.u32 s2, $0x1F;
	(v2sf) =	vpush v3, $0x0;
	v7 =	vsel vm9, s7, v7;
	(pc) =	sbr.rel @p0 .LBB2_5-.Ltmp5, $4  }
0x15f: {  	s21 =	sadd.s32 s15, s0;
	s4 =	sadd.s32 s6, s13;
	v8 =	vmov s2;
	s23 =	smulhi.u32 $0x431BDE83, s29;
	(v2sf) =	vpush v3, $0x7;
	v9 =	vsel vm0, s12, v7  }
0x160: {  	s26 =	sshrl.u32 s21, $0x1F;
	s0 =	sshra.s32 s3, $0x1F;
	s6 =	sshra.s32 s4, $0xC;
	v7 =	vnsel vm4, $0x0, v8;
	(v2sf) =	vpush v3, $0x1;
	v8 =	vsel vm11, s24, v9  }
0x161: {  	s15 =	smulhi.u32 $0x431BDE83, s3;
	s3 =	sadd.s32 s1, s30;
	(v2sf) =	vpush v3, $0x2;
	v8 =	vsel vm1, s5, v8;
	s12 =	spop (v2sf)  }
0x162: {  	s2 =	sshra.s32 s31, $0xC;
	v6 =	vsel vm0, s6, v6;
	s5 =	smul.u32 $0x431BDE83, s0;
	v8 =	vsel vm12, s22, v8;
	s22 =	smov.u32 s9  }
0x163: {  	_ = 	snop  }
0x164: {  	(v2sf) =	vpush v3, $0x3;
	_ =	sdelay $0x1  }
0x165: {  	(v2sf) =	vpush v3, $0x4  }
0x166: {  	(v2sf) =	vpush v3, $0xC  }
0x167: {  	s0 =	sshra.s32 s12, $0x1F;
	s31 =	smulhi.u32 $0x431BDE83, s12  }
0x168: {  	s9 =	sshra.s32 s29, $0x1F;
	s0 =	smul.u32 $0x431BDE83, s0;
	(v2sf) =	vpush v3, $0x8  }
0x169: {  	s1 =	spop (v2sf);
	s9 =	smul.u32 $0x431BDE83, s9  }
0x16a: {  	s30 =	smulhi.u32 $0x431BDE83, s1;
	s1 =	sshra.s32 s1, $0x1F;
	[smem:$0x7DC] =	sst s31;
	(v2sf) =	vpush v3, $0xE  }
0x16b: {  	[smem:$0x7DB] =	sst s0;
	s1 =	smul.u32 $0x431BDE83, s1  }
0x16c: {  	[smem:$0x7DD] =	sst s30;
	s12 =	spop (v2sf)  }
0x16d: {  	[smem:$0x7DE] =	sst s1;
	s13 =	spop (v2sf)  }
0x16e: {  	s16 =	spop (v2sf);
	s22 =	sshra.s32 s13, $0x1F;
	s6 =	smulhi.u32 $0x431BDE83, s13  }
0x16f: {  	s7 =	smul.u32 $0x431BDE83, s22;
	s24 =	spop (v2sf)  }
0x170: {  	s13 =	smulhi.u32 $0x431BDE83, s16;
	[smem:$0x7DF] =	sst s6  }
0x171: {  	s22 =	smulhi.u32 $0x431BDE83, s24;
	[smem:$0x7E0] =	sst s7  }
0x172: {  	s24 =	sshra.s32 s24, $0x1F;
	s29 =	spop (v2sf);
	[smem:$0x7E1] =	sst s13  }
0x173: {  	s24 =	smul.u32 $0x431BDE83, s24;
	s13 =	sld [smem:$0x7DD]  }
0x174: {  	s23 =	sadd.s32 s9, s23;
	s9 =	sld [smem:$0x7DF];
	s31 =	spop (v2sf)  }
0x175: {  	[smem:$0x7E2] =	sst s22;
	s6 =	spop (v2sf);
	s28 =	sshra.s32 s31, $0x1F  }
0x176: {  	[smem:$0x7E3] =	sst s24;
	s0 =	smul.u32 $0x431BDE83, s28  }
0x177: {  	(v2sf) =	vpush v3, $0x9;
	s1 =	spop (v2sf);
	s7 =	sshra.s32 s6, $0x1F;
	s28 =	smulhi.u32 $0x431BDE83, s6  }
0x178: {  	s6 =	sld [smem:$0x7DB];
	s7 =	smul.u32 $0x431BDE83, s7  }
0x179: {  	s30 =	spop (v2sf);
	s24 =	smulhi.u32 $0x431BDE83, s1  }
0x17a: {  	[smem:$0x7E9] =	sst s0;
	s22 =	smulhi.u32 $0x431BDE83, s30;
	s0 =	sshra.s32 s30, $0x1F  }
0x17b: {  	s30 =	smulhi.u32 $0x431BDE83, s29;
	s29 =	sshra.s32 s29, $0x1F;
	[smem:$0x7E5] =	sst s7  }
0x17c: {  	s15 =	sadd.s32 s5, s15;
	(v2sf) =	vpush v3, $0xA;
	[smem:$0x7E6] =	sst s24;
	s5 =	smul.u32 $0x431BDE83, s29  }
0x17d: {  	s7 =	sld [smem:$0x7DC]  }
0x17e: {  	(v2sf) =	vpush v3, $0xD;
	[smem:$0x7E8] =	sst s5  }
0x17f: {  	s5 =	smulhi.u32 $0x431BDE83, s31;
	s31 =	sld [smem:$0x7E0]  }
0x180: {  	s24 =	sld [smem:$0x7DE]  }
0x181: {  	s16 =	sshra.s32 s16, $0x1F;
	s1 =	sshra.s32 s1, $0x1F;
	[smem:$0x7E7] =	sst s30  }
0x182: {  	v5 =	vsel vm0, s26, v5;
	s30 =	smul.u32 $0x431BDE83, s1;
	s1 =	sadd.s32 s31, s9;
	s9 =	sld [smem:$0x7E2]  }
0x183: {  	v5 =	vsel vm1, s17, v5;
	s17 =	sshra.s32 s23, $0xC;
	s16 =	smul.u32 $0x431BDE83, s16;
	s31 =	sld [smem:$0x7E3]  }
0x184: {  	[smem:$0x7E4] =	sst s22;
	s22 =	smul.u32 $0x431BDE83, s0;
	s29 =	sadd.s32 s6, s7  }
0x185: {  	s6 =	sadd.s32 s24, s13;
	s24 =	smulhi.u32 $0x431BDE83, s12;
	s12 =	sshra.s32 s12, $0x1F  }
0x186: {  	s0 =	spop (v2sf);
	s9 =	sadd.s32 s31, s9;
	s31 =	sld [smem:$0x7E4]  }
0x187: {  	[smem:$0x7EA] =	sst s5;
	s13 =	smul.u32 $0x431BDE83, s12;
	s7 =	sshra.s32 s0, $0x1F  }
0x188: {  	v9 =	vmov s25;
	s25 =	sshrl.u32 s6, $0x1F;
	s12 =	smul.u32 $0x431BDE83, s7;
	s7 =	sld [smem:$0x7E1]  }
0x189: {  	s26 =	sshra.s32 s6, $0xC;
	s5 =	sadd.s32 s22, s31;
	s31 =	sld [smem:$0x7E5]  }
0x18a: {  	v7 =	vsel vm0, s18, v7;
	s6 =	sshra.s32 s6, $0x1F;
	[dreg:$0x1b] =	wrdreg s1;
	s24 =	sadd.s32 s13, s24  }
0x18b: {  	v7 =	vsel vm1, s20, v7;
	s1 =	spop (v2sf);
	s13 =	sld [smem:$0x7E7];
	s20 =	sshrl.u32 s24, $0x1F  }
0x18c: {  	(v2sf) =	vpush v3, $0xF;
	s16 =	sadd.s32 s16, s7;
	s28 =	sadd.s32 s31, s28;
	s31 =	sld [smem:$0x7E6]  }
0x18d: {  	s7 =	smulhi.u32 $0x431BDE83, s0;
	s0 =	spop (v2sf);
	s18 =	sshra.s32 s9, $0x1F  }
0x18e: {  	[dreg:$0x19] =	wrdreg s5;
	s5 =	smulhi.u32 $0x431BDE83, s1;
	s1 =	sshra.s32 s1, $0x1F  }
0x18f: {  	s1 =	smul.u32 $0x431BDE83, s1;
	s30 =	sadd.s32 s30, s31;
	s31 =	sld [smem:$0x7E8]  }
0x190: {  	s22 =	smulhi.u32 $0x431BDE83, s0;
	s0 =	sshra.s32 s0, $0x1F;
	s7 =	sadd.s32 s12, s7  }
0x191: {  	s0 =	smul.u32 $0x431BDE83, s0;
	[dreg:$0x1e] =	wrdreg s7;
	s12 =	sadd.s32 s1, s5  }
0x192: {  	s1 =	sshrl.u32 s4, $0x1F;
	s13 =	sadd.s32 s31, s13;
	s31 =	sld [smem:$0x7EA]  }
0x193: {  	(v2sf) =	vpush v3, $0x6;
	s4 =	sshra.s32 s21, $0xC;
	s21 =	sshrl.u32 s15, $0x1F;
	[dreg:$0x16] =	wrdreg s13  }
0x194: {  	s15 =	sshra.s32 s15, $0xC;
	s5 =	sshra.s32 s19, $0xC;
	s13 =	sld [smem:$0x7E9]  }
0x195: {  	[dreg:$0x13] =	wrdreg s12;
	s12 =	sshrl.u32 s10, $0x1F;
	v9 =	vsel vm0, s1, v9;
	s1 =	sshrl.u32 s23, $0x1F  }
0x196: {  	(v2sf) =	vpush v3, $0xB;
	s23 =	sshra.s32 s23, $0x1F;
	v4 =	vsel vm0, s4, v4;
	s4 =	sshra.s32 s11, $0xC;
	s11 =	sshrl.u32 s11, $0x1F  }
0x197: {  	v5 =	vsel vm2, s21, v5;
	s21 =	sshra.s32 s28, $0xC;
	v4 =	vsel vm1, s2, v4;
	s2 =	sshrl.u32 s9, $0x1F;
	s7 =	sadd.s32 s13, s31  }
0x198: {  	(v2sf) =	vpush v3, $0x5;
	s13 =	sadd.s32 s0, s22;
	s22 =	sshrl.u32 s3, $0x1F;
	s31 =	sshra.s32 s3, $0xC  }
0x199: {  	s3 =	sshra.s32 s10, $0xC;
	s0 =	sshra.s32 s10, $0x1F;
	s10 =	sshra.s32 s29, $0xC  }
0x19a: {  	v14 =	vmov s20;
	s29 =	sshrl.u32 s29, $0x1F;
	[dreg:$0x10] =	wrdreg s7;
	s7 =	sshra.s32 s19, $0x1F  }
0x19b: {  	v14 =	vnsel vm4, $0x0, v14;
	s19 =	sshrl.u32 s19, $0x1F;
	v8 =	vsel vm2, s3, v8;
	s3 =	sshrl.u32 s16, $0x1F;
	v9 =	vsel vm1, s22, v9;
	s22 =	spop (v2sf)  }
0x19c: {  	v7 =	vsel vm2, s12, v7;
	v6 =	vsel vm1, s31, v6;
	s31 =	sshra.s32 s24, $0x1F;
	v8 =	vsel vm13, s0, v8;
	s0 =	sshrl.u32 s28, $0x1F;
	s28 =	sshra.s32 s9, $0xC  }
0x19d: {  	v13 =	vmov s21;
	v4 =	vsel vm2, s15, v4;
	s9 =	sshra.s32 s30, $0xC;
	v6 =	vsel vm2, s10, v6;
	s10 =	sshrl.u32 s30, $0x1F;
	s15 =	smulhi.u32 $0x431BDE83, s22  }
0x19e: {  	v7 =	vsel vm5, s19, v7;
	v9 =	vsel vm2, s29, v9;
	s30 =	sshra.s32 s24, $0xC;
	s19 =	rddreg [dreg:$0x10];
	v8 =	vsel vm5, s5, v8;
	s5 =	sshra.s32 s16, $0x1F  }
0x19f: {  	v14 =	vsel vm0, s3, v14;
	v7 =	vsel vm6, s25, v7;
	s25 =	rddreg [dreg:$0x19];
	s20 =	sshra.s32 s19, $0xC;
	v8 =	vsel vm14, s7, v8;
	s7 =	sshra.s32 s16, $0xC  }
0x1a0: {  	v11 =	vmov s9;
	v7 =	vsel vm7, s1, v7;
	s1 =	sshrl.u32 s25, $0x1F;
	v8 =	vsel vm6, s26, v8;
	s26 =	sshra.s32 s22, $0x1F;
	s22 =	rddreg [dreg:$0x1b]  }
0x1a1: {  	v12 =	vmov s0;
	v15 =	vmov s10;
	v8 =	vsel vm15, s6, v8;
	s29 =	sshra.s32 s22, $0x1F;
	s12 =	smul.u32 $0x431BDE83, s26;
	s26 =	rddreg [dreg:$0x1e]  }
0x1a2: {  	v14 =	vsel vm1, s2, v14;
	v8 =	vsel vm7, s17, v8;
	v10 =	vmov s29;
	s17 =	spop (v2sf);
	s29 =	sshra.s32 s26, $0xC;
	s0 =	sshrl.u32 s26, $0x1F  }
0x1a3: {  	v4 =	vcombine.low v6, v4;
	v10 =	vsel vm4, s30, v10;
	s16 =	smulhi.u32 $0x431BDE83, s17;
	s30 =	sshrl.u32 s13, $0x1F;
	v11 =	vsel vm0, s29, v11;
	s29 =	rddreg [dreg:$0x16]  }
0x1a4: {  	v5 =	vcombine.low v9, v5;
	v7 =	vsel vm10, s11, v7;
	s13 =	sshra.s32 s13, $0xC;
	s11 =	sshra.s32 s17, $0x1F;
	s17 =	rddreg [dreg:$0x13];
	v10 =	vsel vm9, s31, v10  }
0x1a5: {  	v8 =	vsel vm3, s23, v8;
	s21 =	sadd.s32 s12, s15;
	v15 =	vsel vm0, s0, v15;
	s31 =	spop (v2sf);
	s0 =	smul.u32 $0x431BDE83, s11;
	v10 =	vsel vm0, s7, v10  }
0x1a6: {  	v4 =	vperm.xlane v4, v0;
	v8 =	vsel vm10, s4, v8;
	s4 =	sshra.s32 s25, $0xC;
	s9 =	sshra.s32 s31, $0x1F;
	s31 =	smulhi.u32 $0x431BDE83, s31;
	v10 =	vsel vm11, s5, v10  }
0x1a7: {  	v5 =	vperm.xlane v5, v0;
	v7 =	vperm.xlane v7, v1;
	s25 =	sshrl.u32 s21, $0x1F;
	s24 =	spop (v2sf);
	s23 =	smul.u32 $0x431BDE83, s9;
	v10 =	vsel vm1, s28, v10  }
0x1a8: {  	v12 =	vsel vm0, s30, v12;
	s30 =	sshra.s32 s29, $0xC;
	v13 =	vsel vm0, s13, v13;
	s26 =	smulhi.u32 $0x431BDE83, s24;
	s28 =	sshra.s32 s24, $0x1F;
	v10 =	vsel vm12, s18, v10  }
0x1a9: {  	s15 =	sshra.s32 s29, $0x1F;
	v12 =	vsel vm1, s1, v12;
	v13 =	vsel vm1, s4, v13;
	s5 =	sshra.s32 s21, $0xC;
	s1 =	smul.u32 $0x431BDE83, s28;
	v10 =	vsel vm2, s30, v10  }
0x1aa: {  	v8 =	vperm.xlane v8, v1;
	v12 =	vsel vm2, s25, v12;
	s21 =	sshra.s32 s19, $0x1F;
	s24 =	sshrl.u32 s29, $0x1F;
	s18 =	sshrl.u32 s17, $0x1F;
	v10 =	vsel vm13, s15, v10  }
0x1ab: {  	v13 =	vsel vm2, s5, v13;
	s6 =	sadd.s32 s23, s31;
	s23 =	sshra.s32 s17, $0xC;
	v14 =	vsel vm2, s24, v14;
	s1 =	sadd.s32 s1, s26;
	v10 =	vsel vm5, s20, v10  }
0x1ac: {  	s29 =	sshrl.u32 s19, $0x1F;
	v11 =	vsel vm1, s23, v11;
	v15 =	vsel vm1, s18, v15;
	s30 =	sshrl.u32 s6, $0x1F;
	s25 =	sshra.s32 s1, $0xC;
	v10 =	vsel vm14, s21, v10  }
0x1ad: {  	s0 =	sadd.s32 s0, s16;
	v14 =	vsel vm5, s29, v14;
	s26 =	sshra.s32 s6, $0xC;
	v15 =	vsel vm2, s30, v15;
	s28 =	sshra.s32 s1, $0x1F;
	v10 =	vsel vm6, s25, v10  }
0x1ae: {  	s31 =	sshra.s32 s0, $0xC;
	v11 =	vsel vm2, s26, v11;
	s1 =	sshrl.u32 s1, $0x1F;
	v60 =	vcombine.low v15, v12;
	v10 =	vsel vm15, s28, v10  }
0x1af: {  	s4 =	sshra.s32 s0, $0x1F;
	s0 =	sshrl.u32 s0, $0x1F;
	v59 =	vcombine.low v11, v13;
	v61 =	vsel vm6, s1, v14;
	v10 =	vsel vm7, s31, v10  }
0x1b0: {  	s5 =	sshra.s32 s22, $0xC;
	s6 =	sshrl.u32 s22, $0x1F;
	v11 =	vsel vm7, s0, v61;
	v9 =	vperm.xlane v60, v0;
	v10 =	vsel vm3, s4, v10  }
0x1b1: {  	v11 =	vsel vm10, s6, v11;
	v6 =	vperm.xlane v59, v0;
	v10 =	vsel vm10, s5, v10  }
0x1b2: {  	v11 =	vperm.xlane v11, v1;
	v10 =	vperm.xlane v10, v1  }
0x1b3: {  	v5 =	vsel vm8, v7, v5;
	v4 =	vsel vm8, v8, v4  }
0x1b4: {  	v4 =	vadd.s32 v5, v4;
	v62 =	vsel vm8, v11, v9;
	v6 =	vsel vm8, v10, v6  }
0x1b5: {  	v4 =	vmul.u32 $0x3D09, v4;
	v5 =	vadd.s32 v62, v6  }
0x1b6: {  	v5 =	vmul.u32 $0x3D09, v5  }
0x1b7: {  	v2 =	vsub.s32 v2, v4  }
0x1b8: {  	vm9 =	vlt.s32 v2, $0x0;
	v4 =	vadd.s32 $0x3D09, v2;
	v3 =	vsub.s32 v3, v5  }
0x1b9: {  	v2 =	vsel vm9, v4, v2;
	vm9 =	vlt.s32 v3, $0x0;
	v63 =	vadd.s32 $0x3D09, v3  }
0x1ba: {  	s7 =	rddreg [dreg:$0x5];
	[tilespmem:s8+$0x4800] =	vst v2;
	v2 =	vsel vm9, v63, v3  }
0x1bb: {  	s16 =	simm.s32 $0x80;
	s9 =	simm.s32 $0x4C00;
	s8 =	simm.s32 $0x4800;
	[tilespmem:s14+$0x4800] =	vst v2  }
0x1bc: {  	[tilespmem:s9], [sflag:$0x2] =	stream.indirect.gather [hbm4b:s7+s16], $0x20, s8, s16, $0xb8;
	[tilespmem:$0x8C00] =	vst v63  }
0x1bd: {  	s10 =	simm.s32 $0x4880;
	s11 =	simm.s32 $0x5C00  }
0x1be: {  	[tilespmem:s11], [sflag:$0x2] =	stream.indirect.gather [hbm4b:s7+s16], $0x20, s10, s16, $0xb8;
	[tilespmem:$0x8C00] =	vst v63  }
0x1bf: {  	s12 =	simm.s32 $0x4900;
	s13 =	simm.s32 $0x6C00  }
0x1c0: {  	[tilespmem:s13], [sflag:$0x2] =	stream.indirect.gather [hbm4b:s7+s16], $0x20, s12, s16, $0xb8;
	[tilespmem:$0x8C00] =	vst v63  }
0x1c1: {  	s17 =	simm.s32 $0x1;
	s15 =	simm.s32 $0x7C00;
	s14 =	simm.s32 $0x4980  }
0x1c2: {  	[tilespmem:s15], [sflag:$0x2] =	stream.indirect.gather [hbm4b:s7+s16], $0x20, s14, s16, $0xb8;
	[tilespmem:$0x8C00] =	vst v63  }
0x1c3: {  	_ =	swait.ge [sflag:s17], $0x1000  }
0x1c4: {  	[sflag:s17] =	ssyncset.done $0x0  }
0x1c5: {  	[sflag:s17] =	ssyncadd.s32 $0xFFFFF000  }
0x1c6: {  	_ =	swait.ge [sflag:s17], $0x1000  }
0x1c7: {  	[sflag:s17] =	ssyncset.done $0x0  }
0x1c8: {  	[sflag:s17] =	ssyncadd.s32 $0xFFFFF000  }
0x1c9: {  	_ =	swait.ge [sflag:s17], $0x1000  }
0x1ca: {  	[sflag:s17] =	ssyncset.done $0x0  }
0x1cb: {  	[sflag:s17] =	ssyncadd.s32 $0xFFFFF000  }
0x1cc: {  	_ =	swait.ge [sflag:s17], $0x1000  }
0x1cd: {  	s19 =	simm.s32 $0x600;
	[sflag:s17] =	ssyncset.done $0x0  }
0x1ce: {  	s20 =	simm.s32 $0x400;
	s18 =	rddreg [dreg:$0x6];
	[sflag:s17] =	ssyncadd.s32 $0xFFFFF000  }
0x1cf: {  	[tilespmem:s19], [sflag:$0x1] =	stream.indirect.gather.add.f32 [hbm:s18], $0x20, s20, s16, $0xb8;
	[tilespmem:$0x8C00] =	vst v63  }
0x1d0: {  	s22 =	simm.s32 $0x480;
	s21 =	simm.s32 $0x1600  }
0x1d1: {  	[tilespmem:s21], [sflag:$0x1] =	stream.indirect.gather.add.f32 [hbm:s18], $0x20, s22, s16, $0xb8;
	[tilespmem:$0x8C00] =	vst v63  }
0x1d2: {  	s24 =	simm.s32 $0x500;
	s23 =	simm.s32 $0x2600  }
0x1d3: {  	[tilespmem:s23], [sflag:$0x1] =	stream.indirect.gather.add.f32 [hbm:s18], $0x20, s24, s16, $0xb8;
	[tilespmem:$0x8C00] =	vst v63  }
0x1d4: {  	s26 =	simm.s32 $0x580;
	s25 =	simm.s32 $0x3600  }
0x1d5: {  	[tilespmem:s25], [sflag:$0x1] =	stream.indirect.gather.add.f32 [hbm:s18], $0x20, s26, s16, $0xb8;
	[tilespmem:$0x8C00] =	vst v63  }
0x1d6: {  	_ =	swait.ge [sflag:s17], $0x1000  }
0x1d7: {  	[sflag:s17] =	ssyncset.done $0x0  }
0x1d8: {  	[sflag:s17] =	ssyncadd.s32 $0xFFFFF000  }
0x1d9: {  	_ =	swait.ge [sflag:s17], $0x1000  }
0x1da: {  	[sflag:s17] =	ssyncset.done $0x0  }
0x1db: {  	[sflag:s17] =	ssyncadd.s32 $0xFFFFF000  }
0x1dc: {  	_ =	swait.ge [sflag:s17], $0x1000  }
0x1dd: {  	[sflag:s17] =	ssyncset.done $0x0  }
0x1de: {  	s5 =	rddreg [dreg:$0xc];
	[sflag:s17] =	ssyncadd.s32 $0xFFFFF000  }
0x1df: {  	s28 =	sshll.u32 s5, $0xF;
	p0 =	seq.s32 s5, $0xC;
	_ =	swait.ge [sflag:s17], $0x1000  }
.Ltmp6:
0x1e0: {  	s29 =	rddreg [dreg:$0x8];
	[sflag:s17] =	ssyncset.done $0x0;
	(pc) =	sbr.rel @p0 .LBB2_10-.Ltmp6, $4  }
0x1e1: {  	s0 =	sadd.s32 s29, s28;
	[sflag:s17] =	ssyncadd.s32 $0xFFFFF000  }
0x1e2: {  	s0 =	sshrl.u32 s0, $0x3;
	s30 =	rddreg [dreg:$0x1]  }
0x1e3: {  	s31 =	simm.s32 $0x0;
	s0 =	sadd.s32 s30, s0  }
0x1e4: {  	[hbm4b:s0+s31] =	stream.linear.scatter [tilespmem:s19], [sflag:$0x3], $0x4000, $0x38;
	[tilespmem:$0x8C00] =	vst v63  }
0x1e5: {  	s0 =	rddreg [dreg:$0x9]  }
0x1e6: {  	s1 =	rddreg [dreg:$0xe];
	s23 =	simm.s32 $0x3  }
0x1e7: {  	s25 =	simm.s32 $0x0;
	s0 =	sadd.s32 s1, s0;
	_ =	swait.ge [sflag:s23], $0x4000  }
0x1e8: {  	[sflag:s23] =	ssyncset.done $0x0;
	s0 =	sshrl.u32 s0, $0x3;
	s24 =	rddreg [dreg:$0x4]  }
0x1e9: {  	s26 =	simm.s32 $0x5;
	[sflag:s23] =	ssyncadd.s32 $0xFFFFC000;
	s0 =	sadd.s32 s24, s0  }
0x1ea: {  	[tilespmem:s25], [sflag:$0x5] =	stream.linear.gather [hbm4b:s0+s25], $0x200, $0x38;
	[tilespmem:$0x8C00] =	vst v63  }
0x1eb: {  	_ =	swait.ge [sflag:s26], $0x200  }
0x1ec: {  	[sflag:s26] =	ssyncset.done $0x0  }
0x1ed: {  	s1 =	simm.s32 $0x0;
	[sflag:s26] =	ssyncadd.s32 $0xFFFFFE00  }
0x1ee: {  	v3 =	vld [tilespmem:s1+$0x0];
	_ =	sdelay $0x4  }
0x1ef: {  	v2 =	vshra.s32 v3, $0x6  }
0x1f0: {  	v2 =	vand.u32 $0xFFFFFC00, v2  }
0x1f1: {  	(v2sf) =	vpush v2, $0x0  }
0x1f2: {  	(v2sf) =	vpush v2, $0x7;
	_ =	sdelay $0x2  }
0x1f3: {  	(v2sf) =	vpush v2, $0x1  }
0x1f4: {  	(v2sf) =	vpush v2, $0x2;
	_ =	sdelay $0x1  }
0x1f5: {  	(v2sf) =	vpush v2, $0x3  }
0x1f6: {  	(v2sf) =	vpush v2, $0x4;
	_ =	sdelay $0x1  }
0x1f7: {  	(v2sf) =	vpush v2, $0xC  }
0x1f8: {  	(v2sf) =	vpush v2, $0x8;
	_ =	sdelay $0x1  }
0x1f9: {  	(v2sf) =	vpush v2, $0xE;
	_ =	sdelay $0x1  }
0x1fa: {  	s28 =	spop (v2sf)  }
0x1fb: {  	(v2sf) =	vpush v2, $0x9;
	s3 =	smulhi.u32 $0x431BDE83, s28;
	s2 =	spop (v2sf)  }
0x1fc: {  	(v2sf) =	vpush v2, $0xA;
	s0 =	sshra.s32 s28, $0x1F;
	s5 =	sshra.s32 s2, $0x1F;
	s2 =	smulhi.u32 $0x431BDE83, s2  }
0x1fd: {  	s0 =	smul.u32 $0x431BDE83, s0  }
0x1fe: {  	s4 =	spop (v2sf);
	s5 =	smul.u32 $0x431BDE83, s5  }
0x1ff: {  	s6 =	sshra.s32 s4, $0x1F;
	s7 =	spop (v2sf);
	s4 =	smulhi.u32 $0x431BDE83, s4  }
0x200: {  	s20 =	simm.s32 $0x80;
	s9 =	sshra.s32 s7, $0x1F;
	s7 =	smulhi.u32 $0x431BDE83, s7  }
0x201: {  	s10 =	spop (v2sf);
	s6 =	smul.u32 $0x431BDE83, s6;
	s0 =	sadd.s32 s0, s3  }
0x202: {  	s11 =	sshra.s32 s10, $0x1F;
	s12 =	spop (v2sf);
	s29 =	smul.u32 $0x431BDE83, s9  }
0x203: {  	(v2sf) =	vpush v2, $0xD;
	s8 =	sadd.s32 s5, s2;
	s10 =	smulhi.u32 $0x431BDE83, s10;
	s13 =	sshra.s32 s12, $0x1F  }
0x204: {  	s5 =	sshra.s32 s8, $0x1F;
	s30 =	spop (v2sf);
	s12 =	smulhi.u32 $0x431BDE83, s12  }
0x205: {  	(v2sf) =	vpush v2, $0xF;
	s6 =	sadd.s32 s6, s4;
	s14 =	spop (v2sf);
	s13 =	smul.u32 $0x431BDE83, s13  }
0x206: {  	s15 =	sshra.s32 s30, $0x1F;
	s7 =	sadd.s32 s29, s7;
	s22 =	smulhi.u32 $0x431BDE83, s30  }
0x207: {  	(v2sf) =	vpush v2, $0x6;
	s28 =	sshra.s32 s6, $0x1F;
	s31 =	spop (v2sf);
	s16 =	smulhi.u32 $0x431BDE83, s14  }
0x208: {  	s17 =	sshra.s32 s14, $0x1F;
	s14 =	sshrl.u32 s6, $0x1F;
	s15 =	smul.u32 $0x431BDE83, s15  }
0x209: {  	(v2sf) =	vpush v2, $0xB;
	s2 =	sshra.s32 s7, $0x1F;
	s24 =	sshra.s32 s7, $0xC;
	s4 =	smulhi.u32 $0x431BDE83, s31  }
0x20a: {  	s18 =	sshra.s32 s31, $0x1F;
	s19 =	spop (v2sf);
	s17 =	smul.u32 $0x431BDE83, s17  }
0x20b: {  	s6 =	sshra.s32 s6, $0xC;
	s18 =	smul.u32 $0x431BDE83, s18;
	s21 =	spop (v2sf)  }
0x20c: {  	v3 =	vand.u32 $0xFFFF, v3;
	s23 =	sshra.s32 s19, $0x1F;
	s15 =	sadd.s32 s15, s22;
	s19 =	smulhi.u32 $0x431BDE83, s19  }
0x20d: {  	[tilespmem:s1+$0x400] =	vst v3;
	(v2sf) =	vpush v2, $0x5;
	s9 =	sadd.s32 s18, s4;
	s18 =	smul.u32 $0x431BDE83, s11;
	s11 =	simm.s32 $0x10  }
0x20e: {  	s25 =	sshra.s32 s21, $0x1F;
	s16 =	sadd.s32 s17, s16;
	s29 =	smulhi.u32 $0x431BDE83, s21;
	v6 =	vld [tilespmem:s11+$0x0]  }
0x20f: {  	s22 =	sshra.s32 s15, $0xC;
	s15 =	sshrl.u32 s15, $0x1F;
	s31 =	smul.u32 $0x431BDE83, s23  }
0x210: {  	s30 =	sshra.s32 s16, $0xC;
	v4 =	vmov s22;
	s22 =	sshrl.u32 s16, $0x1F;
	s17 =	sshrl.u32 s9, $0x1F  }
0x211: {  	v7 =	vmov s30;
	s30 =	smul.u32 $0x431BDE83, s25;
	s4 =	sadd.s32 s31, s19;
	s31 =	sshra.s32 s0, $0xC  }
0x212: {  	vm9 =	vcmask $0x704;
	vm11 =	vcmask $0xF0C;
	v3 =	vmov s5;
	s19 =	sadd.s32 s13, s12;
	s12 =	sshra.s32 s0, $0x1F;
	s26 =	spop (v2sf)  }
0x213: {  	vm12 =	vcmask $0x1714;
	s0 =	sshrl.u32 s0, $0x1F;
	v3 =	vsel vm4, s31, v3;
	s23 =	sshra.s32 s26, $0x1F;
	s26 =	smulhi.u32 $0x431BDE83, s26;
	v8 =	vshra.s32 v6, $0x6  }
0x214: {  	v5 =	vmov s15;
	v9 =	vsel vm9, s12, v3;
	s3 =	sadd.s32 s30, s29;
	s13 =	smul.u32 $0x431BDE83, s23;
	s15 =	spop (v2sf);
	v3 =	vand.u32 $0xFFFFFC00, v8  }
0x215: {  	s30 =	sshra.s32 s4, $0xC;
	v9 =	vsel vm0, s6, v9;
	v10 =	vand.u32 $0xFFFF, v6;
	s31 =	sshra.s32 s15, $0x1F;
	s15 =	smulhi.u32 $0x431BDE83, s15;
	(v2sf) =	vpush v3, $0x0  }
0x216: {  	v6 =	vsel vm11, s28, v9;
	v8 =	vmov s0;
	s21 =	sadd.s32 s13, s26;
	s26 =	spop (v2sf);
	s5 =	smul.u32 $0x431BDE83, s31;
	(v2sf) =	vpush v3, $0x7  }
0x217: {  	s10 =	sadd.s32 s18, s10;
	s18 =	sshrl.u32 s7, $0x1F;
	v9 =	vsel vm1, s24, v6;
	v6 =	vsel vm0, s30, v7;
	s23 =	smulhi.u32 $0x431BDE83, s26;
	(v2sf) =	vpush v3, $0x1  }
0x218: {  	[tilespmem:s11+$0x400] =	vst v10;
	s25 =	sshrl.u32 s21, $0x1F;
	v7 =	vnsel vm4, $0x0, v8;
	v8 =	vsel vm12, s2, v9;
	s12 =	spop (v2sf);
	s2 =	sshra.s32 s9, $0xC;
	(v2sf) =	vpush v3, $0x2  }
.LBB2_8:
0x219: {  	s0 =	sshrl.u32 s4, $0x1F;
	s6 =	sshra.s32 s12, $0x1F  }
0x21a: {  	s7 =	sshra.s32 s21, $0xC;
	s21 =	smov.u32 s20;
	s4 =	smov.u32 s1  }
0x21b: {  	(v2sf) =	vpush v3, $0x3;
	s1 =	smov.u32 s11;
	v5 =	vsel vm0, s25, v5;
	s13 =	sshra.s32 s10, $0xC;
	s12 =	smulhi.u32 $0x431BDE83, s12  }
0x21c: {  	v9 =	vmov s22;
	v7 =	vsel vm0, s14, v7;
	(v2sf) =	vpush v3, $0x4;
	s5 =	sadd.s32 s5, s15;
	s6 =	smul.u32 $0x431BDE83, s6;
	s9 =	spop (v2sf)  }
0x21d: {  	v5 =	vsel vm1, s17, v5;
	v9 =	vsel vm0, s0, v9;
	v4 =	vsel vm0, s7, v4;
	s11 =	sshrl.u32 s5, $0x1F;
	s0 =	smulhi.u32 $0x431BDE83, s9;
	s5 =	sshra.s32 s5, $0xC  }
0x21e: {  	s15 =	sshrl.u32 s3, $0x1F;
	v8 =	vsel vm2, s13, v8;
	s9 =	sshra.s32 s9, $0x1F;
	(v2sf) =	vpush v3, $0xC;
	v5 =	vsel vm2, s11, v5;
	s11 =	sshra.s32 s26, $0x1F  }
0x21f: {  	s7 =	sshra.s32 s10, $0x1F;
	v7 =	vsel vm1, s18, v7;
	s10 =	sshrl.u32 s10, $0x1F;
	v4 =	vsel vm1, s2, v4;
	s2 =	sshra.s32 s3, $0xC;
	(v2sf) =	vpush v3, $0x8  }
0x220: {  	v8 =	vsel vm13, s7, v8;
	s3 =	sshra.s32 s19, $0xC;
	v7 =	vsel vm2, s10, v7;
	s9 =	smul.u32 $0x431BDE83, s9;
	s6 =	sadd.s32 s6, s12  }
0x221: {  	v8 =	vsel vm5, s3, v8;
	s3 =	sshra.s32 s19, $0x1F;
	v6 =	vsel vm1, s2, v6;
	s7 =	smul.u32 $0x431BDE83, s11;
	s2 =	sshra.s32 s6, $0xC;
	(v2sf) =	vpush v3, $0xE  }
0x222: {  	p0 =	sne.s32 s20, $0x7C0;
	v4 =	vsel vm2, s5, v4;
	v8 =	vsel vm14, s3, v8;
	s3 =	sshrl.u32 s19, $0x1F;
	s0 =	sadd.s32 s9, s0;
	v6 =	vsel vm2, s2, v6  }
0x223: {  	v9 =	vsel vm1, s15, v9;
	s6 =	sshrl.u32 s6, $0x1F;
	v7 =	vsel vm5, s3, v7;
	s5 =	sshrl.u32 s0, $0x1F;
	s2 =	sshra.s32 s0, $0xC;
	v4 =	vcombine.low v6, v4  }
0x224: {  	s10 =	sshra.s32 s8, $0xC;
	s7 =	sadd.s32 s7, s23;
	s0 =	sshra.s32 s0, $0x1F;
	v6 =	vsel vm2, s6, v9;
	v8 =	vsel vm6, s2, v8;
	(v2sf) =	vpush v3, $0x9  }
0x225: {  	s6 =	sshrl.u32 s7, $0x1F;
	v5 =	vcombine.low v6, v5;
	v6 =	vsel vm15, s0, v8;
	s0 =	sshra.s32 s7, $0xC;
	(v2sf) =	vpush v3, $0xA;
	s3 =	spop (v2sf)  }
0x226: {  	v6 =	vsel vm7, s0, v6;
	s0 =	sshra.s32 s7, $0x1F;
	s2 =	smulhi.u32 $0x431BDE83, s3;
	(v2sf) =	vpush v3, $0xD;
	s11 =	spop (v2sf)  }
0x227: {  	s3 =	sshra.s32 s3, $0x1F;
	s12 =	spop (v2sf);
	s13 =	sshra.s32 s11, $0x1F  }
0x228: {  	v6 =	vsel vm3, s0, v6;
	s11 =	smulhi.u32 $0x431BDE83, s11;
	s7 =	sshra.s32 s12, $0x1F;
	s14 =	spop (v2sf)  }
0x229: {  	s9 =	sadd.s32 $0x40, s20;
	v7 =	vsel vm6, s5, v7;
	v6 =	vsel vm10, s10, v6;
	s3 =	smul.u32 $0x431BDE83, s3;
	s0 =	sshra.s32 s14, $0x1F  }
0x22a: {  	v7 =	vsel vm7, s6, v7;
	s6 =	sshrl.u32 s8, $0x1F;
	v6 =	vperm.xlane v6, v1;
	s5 =	smul.u32 $0x431BDE83, s13;
	s13 =	spop (v2sf)  }
0x22b: {  	v4 =	vperm.xlane v4, v0;
	v7 =	vsel vm10, s6, v7;
	s16 =	smulhi.u32 $0x431BDE83, s12;
	s12 =	sshra.s32 s13, $0x1F;
	s10 =	spop (v2sf)  }
0x22c: {  	v5 =	vperm.xlane v5, v0;
	v7 =	vperm.xlane v7, v1;
	s6 =	smulhi.u32 $0x431BDE83, s14;
	s8 =	sadd.s32 s5, s11;
	s14 =	sshra.s32 s10, $0x1F  }
0x22d: {  	s5 =	smul.u32 $0x431BDE83, s7;
	s15 =	sshra.s32 s8, $0x1F;
	s7 =	spop (v2sf);
	(v2sf) =	vpush v3, $0xF  }
0x22e: {  	v5 =	vsel vm8, v7, v5;
	v4 =	vsel vm8, v6, v4;
	s2 =	sadd.s32 s3, s2;
	s0 =	smul.u32 $0x431BDE83, s0;
	s11 =	spop (v2sf)  }
0x22f: {  	v4 =	vadd.s32 v5, v4;
	s13 =	smulhi.u32 $0x431BDE83, s13;
	s22 =	sadd.s32 s5, s16;
	s17 =	sshra.s32 s7, $0x1F;
	(v2sf) =	vpush v3, $0x6  }
0x230: {  	v4 =	vmul.u32 $0x3D09, v4;
	s19 =	smul.u32 $0x431BDE83, s14;
	s16 =	sshra.s32 s11, $0x1F;
	s5 =	spop (v2sf)  }
0x231: {  	s0 =	sadd.s32 s0, s6;
	s23 =	smulhi.u32 $0x431BDE83, s11;
	s18 =	sshra.s32 s5, $0x1F  }
0x232: {  	s14 =	sshrl.u32 s22, $0x1F;
	s20 =	sshra.s32 s0, $0x1F;
	v4 =	vsub.s32 v2, v4;
	v2 =	vmov v3;
	s6 =	smulhi.u32 $0x431BDE83, s5  }
0x233: {  	vm9 =	vlt.s32 v4, $0x0;
	s17 =	smul.u32 $0x431BDE83, s17;
	v3 =	vadd.s32 $0x3D09, v4;
	s5 =	sshra.s32 s0, $0xC;
	s25 =	spop (v2sf);
	(v2sf) =	vpush v2, $0xB  }
0x234: {  	v3 =	vsel vm9, v3, v4;
	vm9 =	vcmask $0x704;
	s11 =	smul.u32 $0x431BDE83, s18;
	s26 =	sshra.s32 s25, $0x1F;
	s18 =	spop (v2sf)  }
0x235: {  	s7 =	smulhi.u32 $0x431BDE83, s7;
	s28 =	sshra.s32 s18, $0x1F;
	s30 =	spop (v2sf);
	[tilespmem:s4+$0x200] =	vst v3  }
0x236: {  	s24 =	sshra.s32 s22, $0x1F;
	s29 =	sadd.s32 s11, s6;
	s4 =	smul.u32 $0x431BDE83, s16;
	(v2sf) =	vpush v2, $0x5  }
0x237: {  	s11 =	sshra.s32 s21, $0x2;
	s6 =	sadd.s32 s17, s7;
	s7 =	smul.u32 $0x431BDE83, s12  }
0x238: {  	s12 =	smulhi.u32 $0x431BDE83, s10;
	s16 =	sshra.s32 s6, $0xC;
	s4 =	sadd.s32 s4, s23;
	v3 =	vld [tilespmem:s11+$0x0]  }
0x239: {  	s6 =	sshrl.u32 s6, $0x1F;
	s31 =	smulhi.u32 $0x431BDE83, s18;
	s10 =	sshra.s32 s4, $0xC  }
0x23a: {  	s18 =	sshrl.u32 s0, $0x1F;
	s21 =	sshra.s32 s30, $0x1F;
	s0 =	smulhi.u32 $0x431BDE83, s30;
	v6 =	vmov s10  }
0x23b: {  	v8 =	vmov s15;
	s15 =	sshra.s32 s22, $0xC;
	s3 =	smul.u32 $0x431BDE83, s28;
	s10 =	sadd.s32 s7, s13  }
0x23c: {  	s17 =	sshrl.u32 s29, $0x1F;
	v5 =	vmov s6;
	s23 =	smulhi.u32 $0x431BDE83, s25;
	s6 =	spop (v2sf)  }
0x23d: {  	s19 =	sadd.s32 s19, s12;
	s7 =	smul.u32 $0x431BDE83, s26;
	s13 =	sshra.s32 s2, $0xC;
	v4 =	vshra.s32 v3, $0x6;
	v7 =	vand.u32 $0xFFFF, v3  }
0x23e: {  	v3 =	vand.u32 $0xFFFFFC00, v4;
	[tilespmem:s11+$0x400] =	vst v7;
	v4 =	vmov s16;
	v7 =	vsel vm4, s13, v8;
	s13 =	sshra.s32 s2, $0x1F;
	s26 =	spop (v2sf);
	s16 =	smul.u32 $0x431BDE83, s21  }
.Ltmp7:
0x23f: {  	s22 =	sshrl.u32 s4, $0x1F;
	s2 =	sshrl.u32 s2, $0x1F;
	(v2sf) =	vpush v3, $0x0;
	v7 =	vsel vm9, s13, v7;
	(pc) =	sbr.rel @p0 .LBB2_8-.Ltmp7, $4  }
0x240: {  	s3 =	sadd.s32 s3, s31;
	s4 =	sadd.s32 s7, s23;
	v8 =	vmov s2;
	s23 =	smulhi.u32 $0x431BDE83, s26;
	(v2sf) =	vpush v3, $0x7;
	v9 =	vsel vm0, s15, v7  }
0x241: {  	s7 =	sshra.s32 s4, $0xC;
	s21 =	sadd.s32 s16, s0;
	s0 =	sshra.s32 s6, $0x1F;
	v7 =	vnsel vm4, $0x0, v8;
	(v2sf) =	vpush v3, $0x1;
	v8 =	vsel vm11, s24, v9  }
0x242: {  	s15 =	smulhi.u32 $0x431BDE83, s6;
	s25 =	sshrl.u32 s21, $0x1F;
	(v2sf) =	vpush v3, $0x2;
	v8 =	vsel vm1, s5, v8;
	s12 =	spop (v2sf)  }
0x243: {  	v6 =	vsel vm0, s7, v6;
	s2 =	sshra.s32 s29, $0xC;
	s5 =	smul.u32 $0x431BDE83, s0;
	v8 =	vsel vm12, s20, v8;
	s20 =	smov.u32 s9  }
0x244: {  	(v2sf) =	vpush v3, $0x3;
	_ =	sdelay $0x1  }
0x245: {  	(v2sf) =	vpush v3, $0x4  }
0x246: {  	(v2sf) =	vpush v3, $0xC  }
0x247: {  	s0 =	sshra.s32 s12, $0x1F;
	s24 =	smulhi.u32 $0x431BDE83, s12  }
0x248: {  	s28 =	sshra.s32 s26, $0x1F;
	s0 =	smul.u32 $0x431BDE83, s0;
	s6 =	spop (v2sf);
	(v2sf) =	vpush v3, $0x8  }
0x249: {  	s30 =	smul.u32 $0x431BDE83, s28;
	[smem:$0x7CA] =	sst s24  }
0x24a: {  	s20 =	smulhi.u32 $0x431BDE83, s6;
	s6 =	sshra.s32 s6, $0x1F;
	[smem:$0x7C9] =	sst s0;
	(v2sf) =	vpush v3, $0xE  }
0x24b: {  	s29 =	smul.u32 $0x431BDE83, s6;
	[smem:$0x7CD] =	sst s30  }
0x24c: {  	[smem:$0x7CB] =	sst s20  }
0x24d: {  	[smem:$0x7CC] =	sst s29;
	s13 =	spop (v2sf)  }
0x24e: {  	s15 =	sadd.s32 s5, s15;
	s5 =	sld [smem:$0x7CB];
	s16 =	spop (v2sf)  }
0x24f: {  	s20 =	spop (v2sf);
	s31 =	smulhi.u32 $0x431BDE83, s16  }
0x250: {  	s6 =	spop (v2sf);
	s7 =	smulhi.u32 $0x431BDE83, s20  }
0x251: {  	s20 =	sshra.s32 s20, $0x1F;
	[smem:$0x7CE] =	sst s31;
	s9 =	smulhi.u32 $0x431BDE83, s6  }
0x252: {  	s26 =	sshra.s32 s6, $0x1F;
	s12 =	smul.u32 $0x431BDE83, s20;
	s28 =	spop (v2sf)  }
0x253: {  	s24 =	sshra.s32 s16, $0x1F;
	[smem:$0x7CF] =	sst s7;
	s16 =	smul.u32 $0x431BDE83, s26  }
0x254: {  	s30 =	spop (v2sf);
	[smem:$0x7D1] =	sst s9  }
0x255: {  	[smem:$0x7D0] =	sst s12;
	s7 =	spop (v2sf)  }
0x256: {  	[smem:$0x7D2] =	sst s16;
	s20 =	sshra.s32 s30, $0x1F;
	s16 =	smulhi.u32 $0x431BDE83, s28  }
0x257: {  	s28 =	sshra.s32 s28, $0x1F;
	s26 =	spop (v2sf);
	s0 =	smul.u32 $0x431BDE83, s20  }
0x258: {  	s20 =	smul.u32 $0x431BDE83, s28;
	s28 =	sld [smem:$0x7CA]  }
0x259: {  	s9 =	sshra.s32 s7, $0x1F;
	s29 =	spop (v2sf);
	[smem:$0x7D7] =	sst s16  }
0x25a: {  	(v2sf) =	vpush v3, $0x9;
	s12 =	smulhi.u32 $0x431BDE83, s26;
	s6 =	sshra.s32 s26, $0x1F;
	s26 =	sld [smem:$0x7C9]  }
0x25b: {  	s9 =	smul.u32 $0x431BDE83, s9;
	[smem:$0x7D9] =	sst s0  }
0x25c: {  	s31 =	smulhi.u32 $0x431BDE83, s29;
	[smem:$0x7D8] =	sst s20  }
0x25d: {  	s0 =	sshra.s32 s29, $0x1F;
	s29 =	smul.u32 $0x431BDE83, s6;
	s6 =	sld [smem:$0x7CC]  }
0x25e: {  	s20 =	sld [smem:$0x7CE]  }
0x25f: {  	(v2sf) =	vpush v3, $0xA;
	[smem:$0x7D4] =	sst s9  }
0x260: {  	(v2sf) =	vpush v3, $0xD;
	s9 =	smulhi.u32 $0x431BDE83, s7;
	[smem:$0x7D6] =	sst s12  }
0x261: {  	s7 =	smulhi.u32 $0x431BDE83, s30;
	s30 =	sld [smem:$0x7D0]  }
0x262: {  	[smem:$0x7D3] =	sst s31  }
0x263: {  	[smem:$0x7D5] =	sst s9  }
0x264: {  	s24 =	smul.u32 $0x431BDE83, s24;
	[smem:$0x7DA] =	sst s7  }
0x265: {  	s31 =	smul.u32 $0x431BDE83, s0;
	s28 =	sadd.s32 s26, s28;
	s9 =	sld [smem:$0x7CD]  }
0x266: {  	s12 =	sadd.s32 s6, s5;
	s6 =	sadd.s32 s24, s20;
	s24 =	sld [smem:$0x7CF]  }
0x267: {  	s26 =	smulhi.u32 $0x431BDE83, s13;
	s13 =	sshra.s32 s13, $0x1F;
	s7 =	sld [smem:$0x7D1]  }
0x268: {  	v9 =	vmov s22;
	s16 =	smul.u32 $0x431BDE83, s13;
	[dreg:$0x1c] =	wrdreg s6;
	s22 =	sshrl.u32 s12, $0x1F  }
0x269: {  	s0 =	spop (v2sf);
	s24 =	sadd.s32 s30, s24;
	s30 =	sld [smem:$0x7D3]  }
0x26a: {  	s16 =	sadd.s32 s16, s26;
	s26 =	sld [smem:$0x7D7];
	s13 =	sshra.s32 s0, $0x1F  }
0x26b: {  	v5 =	vsel vm0, s25, v5;
	s25 =	sshra.s32 s12, $0xC;
	s20 =	smul.u32 $0x431BDE83, s13;
	s13 =	sld [smem:$0x7D2]  }
0x26c: {  	s12 =	sshra.s32 s12, $0x1F;
	s6 =	sadd.s32 s31, s30;
	s31 =	sld [smem:$0x7D5]  }
0x26d: {  	s23 =	sadd.s32 s9, s23;
	s9 =	smulhi.u32 $0x431BDE83, s0;
	s30 =	sld [smem:$0x7D6]  }
0x26e: {  	v5 =	vsel vm1, s17, v5;
	s5 =	spop (v2sf);
	s17 =	sshra.s32 s23, $0xC;
	[dreg:$0x1a] =	wrdreg s6  }
0x26f: {  	s0 =	spop (v2sf);
	s9 =	sadd.s32 s20, s9;
	s6 =	sld [smem:$0x7D4]  }
0x270: {  	s13 =	sadd.s32 s13, s7;
	s29 =	sadd.s32 s29, s30;
	s30 =	sld [smem:$0x7D8]  }
0x271: {  	(v2sf) =	vpush v3, $0xF;
	s7 =	smulhi.u32 $0x431BDE83, s0;
	s0 =	sshra.s32 s0, $0x1F;
	[dreg:$0x1f] =	wrdreg s9  }
0x272: {  	s31 =	sadd.s32 s6, s31;
	s6 =	smulhi.u32 $0x431BDE83, s5;
	s5 =	sshra.s32 s5, $0x1F  }
0x273: {  	s5 =	smul.u32 $0x431BDE83, s5;
	s26 =	sadd.s32 s30, s26;
	s30 =	sld [smem:$0x7DA]  }
0x274: {  	v7 =	vsel vm0, s14, v7;
	s0 =	smul.u32 $0x431BDE83, s0;
	s14 =	sshra.s32 s13, $0x1F;
	[dreg:$0x17] =	wrdreg s26  }
0x275: {  	s26 =	sld [smem:$0x7D9];
	s20 =	sadd.s32 s5, s6;
	s6 =	sshra.s32 s21, $0xC  }
0x276: {  	(v2sf) =	vpush v3, $0x6;
	s5 =	sshrl.u32 s15, $0x1F;
	s15 =	sshra.s32 s15, $0xC;
	s21 =	sshra.s32 s3, $0xC  }
0x277: {  	v7 =	vsel vm1, s18, v7;
	[dreg:$0x14] =	wrdreg s20;
	s20 =	sshrl.u32 s10, $0x1F;
	v5 =	vsel vm2, s5, v5;
	s5 =	sshra.s32 s8, $0xC  }
0x278: {  	(v2sf) =	vpush v3, $0xB;
	v4 =	vsel vm0, s6, v4;
	s6 =	sshrl.u32 s8, $0x1F;
	s8 =	sshra.s32 s31, $0xC;
	v6 =	vsel vm1, s21, v6;
	s21 =	rddreg [dreg:$0x1c]  }
0x279: {  	v4 =	vsel vm1, s2, v4;
	s2 =	sshrl.u32 s13, $0x1F;
	v7 =	vsel vm2, s20, v7;
	s20 =	sshra.s32 s21, $0x1F;
	s9 =	sadd.s32 s26, s30  }
0x27a: {  	(v2sf) =	vpush v3, $0x5;
	s30 =	sadd.s32 s0, s7;
	s0 =	sshrl.u32 s4, $0x1F;
	s26 =	sshrl.u32 s3, $0x1F  }
0x27b: {  	s3 =	sshra.s32 s10, $0xC;
	s4 =	sshra.s32 s10, $0x1F;
	s7 =	sshra.s32 s19, $0xC  }
0x27c: {  	s10 =	sshra.s32 s28, $0xC;
	s28 =	sshrl.u32 s28, $0x1F;
	[dreg:$0x11] =	wrdreg s9  }
0x27d: {  	s9 =	sshra.s32 s19, $0x1F;
	s19 =	sshrl.u32 s19, $0x1F;
	v9 =	vsel vm0, s0, v9;
	s0 =	sshrl.u32 s23, $0x1F  }
0x27e: {  	s23 =	sshra.s32 s23, $0x1F;
	v8 =	vsel vm2, s3, v8;
	s3 =	sshrl.u32 s24, $0x1F;
	v6 =	vsel vm2, s10, v6;
	s10 =	sshrl.u32 s29, $0x1F  }
0x27f: {  	v13 =	vmov s8;
	v10 =	vmov s20;
	s20 =	sshrl.u32 s30, $0x1F;
	v8 =	vsel vm13, s4, v8;
	s4 =	sshrl.u32 s31, $0x1F;
	s31 =	sshra.s32 s13, $0xC  }
0x280: {  	v4 =	vsel vm2, s15, v4;
	v9 =	vsel vm1, s26, v9;
	s13 =	sshra.s32 s29, $0xC;
	s26 =	spop (v2sf);
	v8 =	vsel vm5, s7, v8;
	s7 =	sshra.s32 s24, $0x1F  }
0x281: {  	v7 =	vsel vm5, s19, v7;
	v15 =	vmov s10;
	s29 =	sshra.s32 s26, $0x1F;
	s15 =	smulhi.u32 $0x431BDE83, s26;
	v9 =	vsel vm2, s28, v9;
	s28 =	rddreg [dreg:$0x1a]  }
0x282: {  	v4 =	vcombine.low v6, v4;
	v7 =	vsel vm6, s22, v7;
	v8 =	vsel vm14, s9, v8;
	s9 =	sshra.s32 s24, $0xC;
	s24 =	sshra.s32 s16, $0xC;
	s26 =	smul.u32 $0x431BDE83, s29  }
0x283: {  	v7 =	vsel vm7, s0, v7;
	s0 =	sshrl.u32 s28, $0x1F;
	s29 =	rddreg [dreg:$0x1f];
	v8 =	vsel vm6, s25, v8;
	s25 =	sshra.s32 s16, $0x1F;
	v10 =	vsel vm4, s24, v10  }
0x284: {  	v11 =	vmov s13;
	s16 =	sshrl.u32 s16, $0x1F;
	s19 =	sshra.s32 s29, $0xC;
	v8 =	vsel vm15, s12, v8;
	v10 =	vsel vm9, s25, v10;
	s25 =	sshra.s32 s30, $0xC  }
0x285: {  	v12 =	vmov s4;
	v14 =	vmov s16;
	s26 =	sadd.s32 s26, s15;
	s16 =	rddreg [dreg:$0x17];
	v8 =	vsel vm7, s17, v8;
	s17 =	spop (v2sf)  }
0x286: {  	v12 =	vsel vm0, s20, v12;
	v11 =	vsel vm0, s19, v11;
	s30 =	sshrl.u32 s26, $0x1F;
	s19 =	sshra.s32 s16, $0xC;
	v13 =	vsel vm0, s25, v13;
	s25 =	rddreg [dreg:$0x14]  }
0x287: {  	v5 =	vcombine.low v9, v5;
	v10 =	vsel vm0, s9, v10;
	v8 =	vsel vm3, s23, v8;
	s18 =	smulhi.u32 $0x431BDE83, s17;
	s22 =	spop (v2sf);
	s23 =	sshrl.u32 s29, $0x1F  }
0x288: {  	v4 =	vperm.xlane v4, v0;
	v7 =	vsel vm10, s6, v7;
	v10 =	vsel vm11, s7, v10;
	s7 =	sshra.s32 s26, $0xC;
	s24 =	sshra.s32 s22, $0x1F;
	s22 =	smulhi.u32 $0x431BDE83, s22  }
0x289: {  	v12 =	vsel vm1, s0, v12;
	v5 =	vperm.xlane v5, v0;
	v8 =	vsel vm10, s5, v8;
	s5 =	sshra.s32 s28, $0xC;
	s29 =	spop (v2sf);
	s28 =	smul.u32 $0x431BDE83, s24  }
0x28a: {  	v7 =	vperm.xlane v7, v1;
	s26 =	sshrl.u32 s25, $0x1F;
	v10 =	vsel vm1, s31, v10;
	v15 =	vsel vm0, s23, v15;
	s23 =	sshra.s32 s17, $0x1F;
	s31 =	smulhi.u32 $0x431BDE83, s29  }
0x28b: {  	v14 =	vnsel vm4, $0x0, v14;
	v12 =	vsel vm2, s30, v12;
	v10 =	vsel vm12, s14, v10;
	s15 =	sshra.s32 s29, $0x1F;
	s24 =	sshra.s32 s16, $0x1F;
	s30 =	smul.u32 $0x431BDE83, s23  }
0x28c: {  	v14 =	vsel vm0, s3, v14;
	v13 =	vsel vm1, s5, v13;
	v10 =	vsel vm2, s19, v10;
	s0 =	smul.u32 $0x431BDE83, s15;
	s8 =	sadd.s32 s28, s22;
	s28 =	rddreg [dreg:$0x11]  }
0x28d: {  	v14 =	vsel vm1, s2, v14;
	s5 =	sshra.s32 s25, $0xC;
	v13 =	vsel vm2, s7, v13;
	s7 =	sshrl.u32 s16, $0x1F;
	v10 =	vsel vm13, s24, v10;
	s29 =	sshra.s32 s28, $0xC  }
0x28e: {  	v15 =	vsel vm1, s26, v15;
	v11 =	vsel vm1, s5, v11;
	s0 =	sadd.s32 s0, s31;
	s31 =	sshra.s32 s28, $0x1F;
	s13 =	sshra.s32 s8, $0xC;
	v10 =	vsel vm5, s29, v10  }
0x28f: {  	v14 =	vsel vm2, s7, v14;
	s15 =	sshrl.u32 s28, $0x1F;
	s16 =	sshrl.u32 s8, $0x1F;
	s9 =	sshra.s32 s0, $0xC;
	v11 =	vsel vm2, s13, v11;
	v10 =	vsel vm14, s31, v10  }
0x290: {  	s12 =	sadd.s32 s30, s18;
	s14 =	sshra.s32 s0, $0x1F;
	v14 =	vsel vm5, s15, v14;
	v15 =	vsel vm2, s16, v15;
	s0 =	sshrl.u32 s0, $0x1F;
	v10 =	vsel vm6, s9, v10  }
0x291: {  	s17 =	sshra.s32 s12, $0xC;
	s20 =	sshrl.u32 s12, $0x1F;
	v59 =	vcombine.low v11, v13;
	v61 =	vsel vm6, s0, v14;
	v10 =	vsel vm15, s14, v10  }
0x292: {  	s19 =	sshra.s32 s21, $0xC;
	s21 =	sshrl.u32 s21, $0x1F;
	s18 =	sshra.s32 s12, $0x1F;
	v60 =	vcombine.low v15, v12;
	v11 =	vsel vm7, s20, v61;
	v10 =	vsel vm7, s17, v10  }
0x293: {  	v8 =	vperm.xlane v8, v1;
	v11 =	vsel vm10, s21, v11;
	v10 =	vsel vm3, s18, v10  }
0x294: {  	v6 =	vperm.xlane v59, v0;
	v9 =	vperm.xlane v60, v0;
	v10 =	vsel vm10, s19, v10  }
0x295: {  	v11 =	vperm.xlane v11, v1;
	v10 =	vperm.xlane v10, v1  }
0x296: {  	v5 =	vsel vm8, v7, v5;
	v4 =	vsel vm8, v8, v4  }
0x297: {  	v4 =	vadd.s32 v5, v4;
	v62 =	vsel vm8, v11, v9;
	v6 =	vsel vm8, v10, v6  }
0x298: {  	v4 =	vmul.u32 $0x3D09, v4;
	v5 =	vadd.s32 v62, v6  }
0x299: {  	v5 =	vmul.u32 $0x3D09, v5  }
0x29a: {  	v2 =	vsub.s32 v2, v4  }
0x29b: {  	vm9 =	vlt.s32 v2, $0x0;
	v4 =	vadd.s32 $0x3D09, v2;
	v3 =	vsub.s32 v3, v5  }
0x29c: {  	v2 =	vsel vm9, v4, v2;
	vm9 =	vlt.s32 v3, $0x0;
	v63 =	vadd.s32 $0x3D09, v3  }
0x29d: {  	s23 =	simm.s32 $0x200;
	[tilespmem:s1+$0x200] =	vst v2;
	v2 =	vsel vm9, v63, v3  }
0x29e: {  	s22 =	rddreg [dreg:$0x5];
	s24 =	simm.s32 $0x600;
	s16 =	simm.s32 $0x80;
	[tilespmem:s11+$0x200] =	vst v2  }
0x29f: {  	[tilespmem:s24], [sflag:$0x1] =	stream.indirect.gather [hbm4b:s22+s16], $0x20, s23, s16, $0xb8;
	[tilespmem:$0x8C00] =	vst v63  }
0x2a0: {  	s25 =	simm.s32 $0x280;
	s26 =	simm.s32 $0x1600  }
0x2a1: {  	[tilespmem:s26], [sflag:$0x1] =	stream.indirect.gather [hbm4b:s22+s16], $0x20, s25, s16, $0xb8;
	[tilespmem:$0x8C00] =	vst v63  }
.Ltmp8:
0x2a2: {  	_ = 	snop;
	(pc) =	sbr.rel .LBB2_10-.Ltmp8, $4  }
0x2a3: {  	s28 =	simm.s32 $0x300;
	s29 =	simm.s32 $0x2600  }
0x2a4: {  	[tilespmem:s29], [sflag:$0x1] =	stream.indirect.gather [hbm4b:s22+s16], $0x20, s28, s16, $0xb8;
	[tilespmem:$0x8C00] =	vst v63  }
0x2a5: {  	s5 =	rddreg [dreg:$0xc];
	s30 =	simm.s32 $0x380;
	s31 =	simm.s32 $0x3600  }
0x2a6: {  	[tilespmem:s31], [sflag:$0x1] =	stream.indirect.gather [hbm4b:s22+s16], $0x20, s30, s16, $0xb8;
	[tilespmem:$0x8C00] =	vst v63  }
.LBB2_12:
0x2a7: {  	_ =	sfence.sel $0x180000  }
0x2a8: {  	[bflag:$0x0] =	sbarrier.arrive $0xFFFF  }
0x2a9: {  	_ =	strace $0x90000047  }
0x2aa: {  	s0 =	stileid.u32;
	[bflag:$0x2] =	sbarrier.arrive $0xFFFF  }
0x2ab: {  	p0 =	sne.s32 s0, $0x0;
	s0 =	rddreg [dreg:$0x2]  }
0x2ac: {  	s0 =	sadd.s32 @!p0 $0x100000, s0  }
0x2ad: {  	[sflag:s0] =	ssyncadd.tile.s32 @!p0 $0x1;
	_ =	shalt  }
.Lfunc_end2:
_tile_overlayer_lowered:
.L_overlay_start_2:
0x2ae: {  	(tag) =	ssettag $0x2  }
0x2af: {  	s0 =	rddreg [dreg:$0x0];
	s2 =	stileid.u32  }
0x2b0: {  	s1 =	rddreg [dreg:$0x1];
	p0 =	sne.s32 s2, $0x0  }
0x2b1: {  	s3 =	rddreg [dreg:$0x2];
	[bflag:$0x3] =	sbarrier.arrive $0xFFFF;
	s2 =	simm.s32 @!p0 $0x1C05  }
0x2b2: {  	[timem:s3], [sflag:s2] =	dma.local @!p0 [hbm:s0], s1  }
0x2b3: {  	s0 =	simm.s32 @!p0 $0x5  }
0x2b4: {  	_ =	swait.ge @!p0 [sflag:s0], s1  }
0x2b5: {  	s1 =	ssub.s32 @!p0 $0x0, s1;
	[sflag:s0] =	ssyncset.done @!p0 $0x0  }
0x2b6: {  	[sflag:s0] =	ssyncadd.s32 @!p0 s1  }
0x2b7: {  	[bflag:$0x3] =	sbarrier.arrive $0xFFFF  }
0x2b8: {  	_ =	shalt  }

// kernel: sparse-core-data-format-call.cloned.1.call-start
scs
called_computation_lowered:
.L_overlay_start_0:
0x0: {  	s2 =	sld [smem:$0x3FD9]  }
0x1: {  	s3 =	sld [smem:$0x3FFE];
	_ =	sdelay $0x1  }
0x2: {  	s1 =	srdreg.scid  }
0x3: {  	s0 =	sand.u32 $0x1, s1  }
0x4: {  	s18 =	sshll.u32 s0, $0xA;
	s2 =	sadd.s32 s3, s2  }
0x5: {  	s2 =	sadd.s32 s2, s18  }
0x6: {  	[smem:$0x3FC6] =	sst s2  }
0x7: {  	_ = 	snop  }
0x8: {  	s2 =	sld [smem:$0x3FD0];
	(tm) =	ssettm $0x1  }
0x9: {  	s19 =	sld [smem:$0x3FFB];
	_ =	sdelay $0x3  }
0xa: {  	_ =	strace s19  }
0xb: {  	s3 =	sld [smem:$0x3FFC];
	_ =	sdelay $0x3  }
0xc: {  	_ =	strace s3  }
0xd: {  	s3 =	sld [smem:$0x3FFD];
	_ =	sdelay $0x3  }
0xe: {  	_ =	strace s3  }
0xf: {  	_ =	strace $0x8FFFFFFF  }
0x10: {  	s20 =	sld [smem:$0x3FDB];
	_ =	sdelay $0x1  }
0x11: {  	s4 =	simm.s32 $_scs_section_size  }
0x12: {  	s5 =	simm.s32 $_size__tile_overlayer_lowered;
	s6 =	simm.s32 $_tile_overlayer_lowered  }
0x13: {  	s23 =	simm.s32 $0x1BFF;
	s22 =	sshll.u32 s6, $0x1;
	s3 =	sadd.s32 s4, s20  }
0x14: {  	s7 =	simm.s32 $0x0;
	s21 =	sshll.u32 s5, $0x1;
	s5 =	sadd.s32 s22, s3  }
0x15: {  	[timem:s7], [sflag:s23] =	dma.local [hbm:s5], s21  }
0x16: {  	_ =	swait.ge [sflag:s23], s21  }
0x17: {  	s4 =	ssub.s32 $0x0, s21;
	[sflag:s23] =	ssyncset.done $0x0  }
0x18: {  	[sflag:s23] =	ssyncadd.s32 s4;
	_ =	sdelay $0x1  }
0x19: {  	s24 =	simm.s32 $0x1B8B  }
0x1a: {  	_ =	swait.ge [sflag:s24], $0x1  }
0x1b: {  	[sflag:s24] =	ssyncset.done $0x0  }
0x1c: {  	s26 =	simm.s32 $0x1B8E;
	s25 =	sld [smem:$0x3FFE];
	[sflag:s24] =	ssyncadd.s32 $0xFFFFFFFF  }
0x1d: {  	s27 =	simm.s32 $execute0_lowered;
	[smem:$0x3FD2] =	sst s26  }
0x1e: {  	s5 =	sshll.u32 s27, $0x1;
	_ =	strace $0x80000049;
	[dreg:$0x1] =	wrdreg $0xFFFFFFFF  }
0x1f: {  	s28 =	simm.s32 $_size_execute0_lowered;
	s3 =	sadd.s32 s3, s5;
	[dreg:$0x0] =	wrdreg $0x0  }
0x20: {  	s5 =	sshll.u32 s28, $0x1;
	[dreg:$0x2] =	wrdreg s3  }
0x21: {  	[dreg:$0x3] =	wrdreg s5  }
0x22: {  	[dreg:$0x4] =	wrdreg $0xC0  }
0x23: {  	_ =	task [dreg:s7], $0x5FFFF  }
0x24: {  	[dreg:$0x1] =	wrdreg $0xFFFFFFFF  }
0x25: {  	[dreg:$0x0] =	wrdreg $0x60  }
0x26: {  	[dreg:$0x2] =	wrdreg s25  }
0x27: {  	[dreg:$0x3] =	wrdreg s2  }
0x28: {  	[dreg:$0x4] =	wrdreg $0x9  }
0x29: {  	_ =	task.clear_ibuf [dreg:s7], $0x5FFFF;
	_ =	strace $0x90000049  }
0x2a: {  	s29 =	simm.s32 $0x9;
	_ =	strace $0x8000004B  }
0x2b: {  	_ =	swait.ge [sflag:s29], $0x1  }
0x2c: {  	[sflag:s29] =	ssyncadd.s32 $0xFFFFFFFF  }
0x2d: {  	_ =	strace $0x9000004B  }
0x2e: {  	_ =	sfence  }
0x2f: {  	s30 =	sld [smem:$0x0];
	_ =	sdelay $0x2  }
0x30: {  	s31 =	sshll.u32 s1, $0xD;
	s1 =	sshrl.u32 s1, $0x2  }
0x31: {  	s3 =	sand.u32 $0x4000, s31;
	s1 =	sadd.s32 s1, s30  }
0x32: {  	s0 =	sor.u32 s3, s0;
	s1 =	sshll.u32 s1, $0x11  }
0x33: {  	s0 =	sor.u32 s1, s0  }
0x34: {  	s0 =	sadd.s32 $0x8F2B, s0  }
0x35: {  	[sflag:s0] =	ssyncadd.remote.s32 $0x1  }
0x36: {  	_ =	sfence.sel $0xFFFF  }
0x37: {  	[dreg:$0x0] =	wrdreg $0xFFFFFFFF;
	(pc) =	sbr.abs _section_cstart, $3  }
0x38: {  	[dreg:$0x1] =	wrdreg $0xFFFFFFFF  }
0x39: {  	_ =	task.clear_ibuf [dreg:s7], $0x2FFFF;
	_ =	strace $0x9FFFFFFF  }
0x3a: {  	(tm) =	ssettm $0x7FFFFFFF  }
0x3b: {  	_ =	shalt  }
tec
execute0_lowered:
.L_overlay_start_1:
0x0: {  	(tag) =	ssettag $0x1  }
0x1: {  	s0 =	srdreg.scid  }
0x2: {  	s1 =	sshll.u32 s0, $0x4  }
0x3: {  	s0 =	stileid.u32;
	s1 =	sand.u32 $0x10, s1  }
0x4: {  	s1 =	sor.u32 s0, s1  }
0x5: {  	s6 =	rddreg [dreg:$0x0];
	s4 =	simm.s32 $0x1;
	s2 =	sshll.u32 s1, $0x7  }
0x6: {  	s7 =	simm.s32 $0x2;
	s12 =	simm.s32 $0x0;
	s1 =	ssub.s32 $0x4000, s2  }
0x7: {  	s8 =	simm.s32 $0x20000;
	s13 =	simm.s32 $0x0;
	s3 =	sand.u32 $0xF80, s1  }
0x8: {  	s9 =	simm.s32 $0x0;
	s5 =	sshrl.u32 s1, $0xC;
	p0 =	sne.s32 s3, $0x0  }
.Ltmp0:
0x9: {  	s1 =	rddreg [dreg:$0x2];
	s4 =	simm.s32 @!p0 $0x0;
	(pc) =	sbr.rel .LBB1_1-.Ltmp0, $4  }
0xa: {  	s11 =	simm.s32 $0x0;
	s3 =	rddreg [dreg:$0x1];
	s5 =	sadd.s32 s4, s5  }
0xb: {  	_ =	strace $0x8000004A;
	s4 =	simm.s32 $0x1;
	s5 =	smul.u32 $0x1A, s5  }
0xc: {  	s6 =	sadd.s32 $0xA00, s6;
	s10 =	smov.u32 s2;
	[sflag:s4] =	ssyncpa.u1 $0x0  }
0xd: {  	p0 =	por $0x0, $0x0;
	[sflag:s7] =	ssyncpa.u1 $0x0;
	s7 =	sor.u32 $0x1, s5  }
.LBB1_4:
0xe: {  	s16 =	sshll.u32 s13, $0x3;
	s17 =	sand.u32 $0x78, s13  }
0xf: {  	s30 =	sand.u32 $0xF800, s13;
	s12 =	sshll.u32 s12, $0x10;
	s16 =	sand.u32 $0x3C00, s16  }
0x10: {  	s31 =	sand.u32 $0x7, s13;
	s16 =	sor.u32 s17, s16;
	s17 =	sadd.s32 s3, s30  }
0x11: {  	s13 =	sshll.u32 s31, $0x12;
	s16 =	sshrl.u32 s16, $0x3;
	s12 =	sadd.s32 s12, s17  }
0x12: {  	[tilespmem:s15+$0x0 ss:$0x81] =	vst.msk $0xffff, v0;
	s13 =	sor.u32 $0x400, s13;
	s12 =	sadd.s32 s16, s12  }
0x13: {  	[hbm4b:s12+s13] =	stream.strided.scatter [tilespmem:s14], [sflag:$0x2], $0x1000, s8, s13, $0x20;
	[tilespmem:$0x4040] =	vst v63  }
.LBB1_5:
0x14: {  	s14 =	sadd.s32 $0x1, s9  }
0x15: {  	s12 =	sadd.s32 $0x1000, s10;
	s16 =	smov.u32 s10;
	p2 =	sgt.s32 s14, $0x19  }
0x16: {  	s16 =	smov.u32 @p2 s12  }
0x17: {  	s14 =	simm.s32 @p2 $0x0;
	p2 =	sgt.s32 s16, $0x3FFF  }
0x18: {  	s16 =	smov.u32 @p2 s2;
	p2 =	sne.s32 s11, s7  }
.Ltmp1:
0x19: {  	p1 =	slt.u32 s11, $0x2;
	(pc) =	sbr.rel @!p2 .LBB1_6-.Ltmp1, $4  }
0x1a: {  	s15 =	simm.s32 @!p1 $0x2  }
0x1b: {  	s13 =	smov.u32 s10;
	p0 =	por !p0, !p0;
	_ =	swait.ge @!p1 [sflag:s15], $0x1000  }
0x1c: {  	s12 =	smov.u32 s9;
	[sflag:s15] =	ssyncset.done @!p1 $0x0;
	s9 =	smov.u32 s14  }
0x1d: {  	s11 =	sadd.s32 $0x1, s11;
	[sflag:s15] =	ssyncadd.s32 @!p1 $0xFFFFF000;
	s10 =	smov.u32 s16  }
.LBB1_1:
0x1e: {  	p1 =	sge.u32 s11, s5  }
0x1f: {  	s31 =	sadd.s32 $0xFFFFFFFF, s11;
	s14 =	sxor.u32 @!p1 $0xFFFFFFFF, s11  }
0x20: {  	s15 =	sshll.u32 @!p1 s10, $0x9;
	s16 =	sshll.u32 @!p1 s9, $0x4;
	s17 =	simm.s32 @!p1 $0x1000  }
0x21: {  	s14 =	sshll.u32 @!p1 s14, $0xC;
	s16 =	sand.u32 @!p1 $0x1F0, s16;
	s15 =	sadd.s32 @!p1 s6, s15  }
0x22: {  	s14 =	sand.u32 @!p1 $0x1000, s14;
	s15 =	sadd.s32 @!p1 s16, s15;
	s16 =	simm.s32 @!p1 $0x20  }
0x23: {  	[tilespmem:s14], [sflag:$0x1] =	stream.strided.gather @!p1 [hbm4b:s15+s16], $0x1000, s17, s16, $0x38;
	[tilespmem:$0x4040] =	vst v63  }
0x24: {  	p1 =	sge.u32 s31, s5  }
.Ltmp2:
0x25: {  	_ = 	snop;
	(pc) =	sbr.rel @p1 .LBB1_5-.Ltmp2, $1  }
0x26: {  	_ =	sdelay $0x3  }
0x27: {  	s14 =	simm.s32 $0x1  }
0x28: {  	_ =	swait.ge [sflag:s4], $0x1000;
	s14 =	simm.s32 @!p0 $0x0  }
0x29: {  	[sflag:s4] =	ssyncset.done $0x0;
	s15 =	sshll.u32 s14, $0xC  }
0x2a: {  	[sflag:s4] =	ssyncadd.s32 $0xFFFFF000;
	s18 =	sor.u32 $0x10, s15  }
0x2b: {  	s14 =	smul.u32 $0x4080, s14;
	v1 =	vld [tilespmem:s18+$0x0]  }
0x2c: {  	s30 =	sand.u32 $0x1, s11;
	v0 =	vld [tilespmem:s18+$0xFFFFFFF0]  }
0x2d: {  	s15 =	smul.u32 $0x4080, s30;
	s14 =	sshrl.u32 s14, $0x2  }
0x2e: {  	s16 =	sor.u32 $0x2000, s14  }
0x2f: {  	s31 =	sshrl.u32 s15, $0x2;
	s15 =	sadd.s32 $0x0, s16  }
0x30: {  	s17 =	simm.s32 $0x4;
	s18 =	sadd.s32 $0x20, s18;
	s14 =	sor.u32 $0x2000, s31;
	[tilespmem:s15+$0x810 ss:$0x81] =	vst.msk $0xffff, v1  }
.LBB1_3:
0x31: {  	v1 =	vld [tilespmem:s18+$0x0];
	p1 =	sne.s32 s17, $0x1FC;
	[tilespmem:s15+$0x0 ss:$0x81] =	vst.msk $0xffff, v0;
	s15 =	smov.u32 s17;
	s17 =	sadd.s32 $0x4, s17  }
.Ltmp3:
0x32: {  	v0 =	vld [tilespmem:s18+$0xFFFFFFF0];
	(pc) =	sbr.rel @p1 .LBB1_3-.Ltmp3, $4  }
0x33: {  	_ = 	snop  }
0x34: {  	s15 =	sshra.s32 s15, $0x2  }
0x35: {  	s15 =	sadd.s32 s15, s16  }
0x36: {  	s18 =	sadd.s32 $0x20, s18;
	[tilespmem:s15+$0x810 ss:$0x81] =	vst.msk $0xffff, v1  }
.Ltmp4:
0x37: {  	_ = 	snop;
	(pc) =	sbr.rel .LBB1_4-.Ltmp4, $1  }
0x38: {  	_ =	sdelay $0x3  }
.LBB1_6:
0x39: {  	_ =	sfence.sel $0x180000  }
0x3a: {  	s2 =	simm.s32 $0x1;
	[bflag:$0x0] =	sbarrier.arrive $0xFFFF  }
0x3b: {  	s31 =	simm.s32 $0x2;
	[sflag:s2] =	ssyncpa.u1 $0x1  }
0x3c: {  	[sflag:s31] =	ssyncpa.u1 $0x1  }
0x3d: {  	p0 =	sne.s32 s0, $0x0;
	_ =	strace $0x9000004A  }
0x3e: {  	s0 =	sadd.s32 @!p0 $0x100000, s1;
	[bflag:$0x2] =	sbarrier.arrive $0xFFFF  }
0x3f: {  	[sflag:s0] =	ssyncadd.tile.s32 @!p0 $0x1;
	_ =	shalt  }
.Lfunc_end1:
_tile_overlayer_lowered:
.L_overlay_start_2:
0x40: {  	(tag) =	ssettag $0x2  }
0x41: {  	s0 =	rddreg [dreg:$0x0];
	s2 =	stileid.u32  }
0x42: {  	s1 =	rddreg [dreg:$0x1];
	p0 =	sne.s32 s2, $0x0  }
0x43: {  	s3 =	rddreg [dreg:$0x2];
	[bflag:$0x3] =	sbarrier.arrive $0xFFFF;
	s2 =	simm.s32 @!p0 $0x1C01  }
0x44: {  	[timem:s3], [sflag:s2] =	dma.local @!p0 [hbm:s0], s1  }
0x45: {  	s0 =	simm.s32 @!p0 $0x1  }
0x46: {  	_ =	swait.ge @!p0 [sflag:s0], s1  }
0x47: {  	s1 =	ssub.s32 @!p0 $0x0, s1;
	[sflag:s0] =	ssyncset.done @!p0 $0x0  }
0x48: {  	[sflag:s0] =	ssyncadd.s32 @!p0 s1  }
0x49: {  	[bflag:$0x3] =	sbarrier.arrive $0xFFFF  }
0x4a: {  	_ =	shalt  }

</sc_bundles>
